<compile_context>
chip_gen: v7x
topology: tpu7x:2x2x1
jax: 0.10.2.dev20260603
libtpu: 0.0.44.dev20260713+nightly
codegen_flags: <defaults>
</compile_context>

<pallas_src>
import functools

import jax
import jax.numpy as jnp
from jax import lax
from jax.experimental import pallas as pl
from jax.experimental.pallas import tpu as pltpu
from jax.experimental.pallas import tpu_sc as plsc

_BATCH = 4
_SEQ = 8192
_DIM = 1024
_NUM_CORES = 2
_NUM_SUBCORES = 16
_NUM_WORKERS = _NUM_CORES * _NUM_SUBCORES
_ROWS_PER_W = _SEQ // _NUM_WORKERS
_CHUNK = 64
_NCHUNK = _ROWS_PER_W // _CHUNK


def _sc_broadcast(table):
    mesh = plsc.VectorSubcoreMesh(core_axis_name="c", subcore_axis_name="s")

    @functools.partial(
        pl.kernel,
        mesh=mesh,
        out_type=jax.ShapeDtypeStruct((_BATCH, _SEQ, _DIM), jnp.float32),
        scratch_types=[
            pltpu.VMEM((_CHUNK, _DIM), jnp.float32),
            pltpu.VMEM_SHARED((_NUM_SUBCORES, _CHUNK, _DIM), jnp.float32),
            pltpu.SemaphoreType.DMA,
            pltpu.SemaphoreType.DMA,
            pltpu.SemaphoreType.DMA,
            pltpu.SemaphoreType.DMA,
        ],
    )
    def k(table_hbm, out_hbm, buf0, shared, rsem0, rsem1, wsem0, wsem1):
        sid = lax.axis_index("s")
        wid = sid * _NUM_CORES + lax.axis_index("c")
        base = wid * _ROWS_PER_W
        bufs = (buf0, shared.at[sid])
        rsems = (rsem0, rsem1)
        wsems = (wsem0, wsem1)

        def issue_read(j):
            row = base + j * _CHUNK
            return pltpu.async_copy(
                table_hbm.at[pl.ds(row, _CHUNK)], bufs[j % 2], rsems[j % 2]
            )

        rd = [None] * _NCHUNK
        wr = [None] * _NCHUNK
        rd[0] = issue_read(0)
        rd[1] = issue_read(1)
        for i in range(_NCHUNK):
            b = i % 2
            row = base + i * _CHUNK
            rd[i].wait()
            wr[i] = [
                pltpu.async_copy(bufs[b], out_hbm.at[bb, pl.ds(row, _CHUNK)], wsems[b])
                for bb in range(_BATCH)
            ]
            nxt = i + 1
            if 2 <= nxt < _NCHUNK:
                for h in wr[nxt - 2]:
                    h.wait()
                rd[nxt] = issue_read(nxt)
        for i in (_NCHUNK - 2, _NCHUNK - 1):
            for h in wr[i]:
                h.wait()

    return k(table)


def kernel(x, table):
    del x
    return _sc_broadcast(table)

# --- scband reference (transcript-rebuilt; emitter-appended) ---
"""Pipeline reference for scband-absolute-positional-embedding-26044681683357 (READ-ONLY COPY).

The authoritative reference and input builder live on the scoring server;
editing this copy changes nothing except your own understanding.
"""

import jax, jax.numpy as jnp
import numpy as np

MAX_SEQ_LEN = 8192
EMBEDDING_DIM = 1024

def setup_inputs(seed: int = 0) -> dict:
    key = jax.random.key(seed)
    k1, k2 = jax.random.split(key)
    x = jax.random.randint(k1, (4, 8192), 0, 8192, dtype=jnp.int64 if jax.config.jax_enable_x64 else jnp.int32)
    table = jax.random.normal(k2, (MAX_SEQ_LEN, EMBEDDING_DIM), dtype=jnp.float32)
    return {"x": x, "table": table}

def reference(x, table):
    # AbsolutePositionalEmbedding.forward: only shape of x is used.
    batch_size, seq_len = x.shape
    positions = jnp.tile(jnp.arange(seq_len, dtype=jnp.int32)[None, :], (batch_size, 1))
    embedding = jnp.take(table, positions, axis=0)
    return embedding

if __name__ == "__main__":
    import jax
    _d = setup_inputs()
    print(jax.jit(kernel)(*tuple(_d.values())))

</pallas_src>

<mosaic_0001>
#map = affine_map<(d0, d1) -> (0, 0)>
#map1 = affine_map<(d0, d1) -> (0, 0, 0)>
module attributes {stable_mosaic.version = 14 : i64} {
  func.func @k(%arg0: i32, %arg1: i32, %arg2: memref<8192x1024xf32, #tpu.memory_space<hbm>>, %arg3: memref<4x8192x1024xf32, #tpu.memory_space<hbm>>, %arg4: memref<64x1024xf32, #tpu.memory_space<vmem>>, %arg5: memref<16x64x1024xf32, #tpu.memory_space<vmem_shared>>, %arg6: memref<!tpu.dma_semaphore, #tpu.memory_space<semaphore_mem>>, %arg7: memref<!tpu.dma_semaphore, #tpu.memory_space<semaphore_mem>>, %arg8: memref<!tpu.dma_semaphore, #tpu.memory_space<semaphore_mem>>, %arg9: memref<!tpu.dma_semaphore, #tpu.memory_space<semaphore_mem>>) attributes {dimension_semantics = [#tpu.dimension_semantics<core_parallel>, #tpu.dimension_semantics<subcore_parallel>], iteration_bounds = array<i64: 2, 16>, scalar_prefetch = 0 : i64, scratch_operands = 6 : i64, tpu.core_type = #tpu.core_type<sc_vector_subcore>, window_params = [{transform_indices = #map}, {transform_indices = #map1}]} {
    %mul3A = arith.constant 2 : i32
    %mul3A_0 = arith.muli %arg1, %mul3A : i32
    %add3A = arith.addi %mul3A_0, %arg0 : i32
    %mul3A_1 = arith.constant 256 : i32
    %mul3A_2 = arith.muli %add3A, %mul3A_1 : i32
    %add3A_3 = arith.constant 0 : i32
    %add3A_4 = arith.addi %mul3A_2, %add3A_3 : i32
    %dma_start3A = arith.constant 0 : i32
    %dma_start3A_5 = tpu.memref_slice %arg2[%add3A_4, %dma_start3A] : memref<8192x1024xf32, #tpu.memory_space<hbm>> -> memref<64x1024xf32, #tpu.memory_space<hbm>>
    %dma_start3A_6 = arith.constant 0 : i32
    %dma_start3A_7 = tpu.memref_slice %arg2[%add3A_4, %dma_start3A_6] : memref<8192x1024xf32, #tpu.memory_space<hbm>> -> memref<64x1024xf32, #tpu.memory_space<hbm>>
    tpu.enqueue_dma source(%dma_start3A_7 : memref<64x1024xf32, #tpu.memory_space<hbm>>) target(%arg4 : memref<64x1024xf32, #tpu.memory_space<vmem>>) target_semaphore(%arg6 : memref<!tpu.dma_semaphore, #tpu.memory_space<semaphore_mem>>)
    %add3A_8 = arith.constant 64 : i32
    %add3A_9 = arith.addi %mul3A_2, %add3A_8 : i32
    %dma_start3A_10 = arith.constant 0 : i32
    %dma_start3A_11 = arith.constant 0 : i32
    %dma_start3A_12 = tpu.memref_slice %arg5[%arg1, %dma_start3A_10, %dma_start3A_11] : memref<16x64x1024xf32, #tpu.memory_space<vmem_shared>> -> memref<1x64x1024xf32, #tpu.memory_space<vmem_shared>>
    %dma_start3A_13 = tpu.memref_squeeze %dma_start3A_12 : memref<1x64x1024xf32, #tpu.memory_space<vmem_shared>> -> memref<64x1024xf32, #tpu.memory_space<vmem_shared>>
    %dma_start3A_14 = arith.constant 0 : i32
    %dma_start3A_15 = tpu.memref_slice %arg2[%add3A_9, %dma_start3A_14] : memref<8192x1024xf32, #tpu.memory_space<hbm>> -> memref<64x1024xf32, #tpu.memory_space<hbm>>
    tpu.enqueue_dma source(%dma_start3A_15 : memref<64x1024xf32, #tpu.memory_space<hbm>>) target(%dma_start3A_13 : memref<64x1024xf32, #tpu.memory_space<vmem_shared>>) target_semaphore(%arg7 : memref<!tpu.dma_semaphore, #tpu.memory_space<semaphore_mem>>)
    %add3A_16 = arith.constant 0 : i32
    %add3A_17 = arith.addi %mul3A_2, %add3A_16 : i32
    %dma_wait3A = arith.constant 0 : i32
    %dma_wait3A_18 = tpu.memref_slice %arg2[%add3A_4, %dma_wait3A] : memref<8192x1024xf32, #tpu.memory_space<hbm>> -> memref<64x1024xf32, #tpu.memory_space<hbm>>
    %dma_wait3A_19 = arith.constant 0 : i32
    %dma_wait3A_20 = tpu.memref_slice %arg2[%add3A_4, %dma_wait3A_19] : memref<8192x1024xf32, #tpu.memory_space<hbm>> -> memref<64x1024xf32, #tpu.memory_space<hbm>>
    tpu.wait_dma2 semaphore(%arg6 : memref<!tpu.dma_semaphore, #tpu.memory_space<semaphore_mem>>) src(%dma_wait3A_20 : memref<64x1024xf32, #tpu.memory_space<hbm>>) dst(%arg4 : memref<64x1024xf32, #tpu.memory_space<vmem>>)
    %dma_start3A_21 = arith.constant 0 : i32
    %dma_start3A_22 = arith.constant 0 : i32
    %dma_start3A_23 = tpu.memref_slice %arg3[%dma_start3A_21, %add3A_17, %dma_start3A_22] : memref<4x8192x1024xf32, #tpu.memory_space<hbm>> -> memref<1x64x1024xf32, #tpu.memory_space<hbm>>
    %dma_start3A_24 = tpu.memref_squeeze %dma_start3A_23 : memref<1x64x1024xf32, #tpu.memory_space<hbm>> -> memref<64x1024xf32, #tpu.memory_space<hbm>>
    %dma_start3A_25 = arith.constant 0 : i32
    %dma_start3A_26 = tpu.memref_slice %arg3[%dma_start3A_21, %add3A_17, %dma_start3A_25] : memref<4x8192x1024xf32, #tpu.memory_space<hbm>> -> memref<1x64x1024xf32, #tpu.memory_space<hbm>>
    %dma_start3A_27 = tpu.memref_squeeze %dma_start3A_26 : memref<1x64x1024xf32, #tpu.memory_space<hbm>> -> memref<64x1024xf32, #tpu.memory_space<hbm>>
    tpu.enqueue_dma source(%arg4 : memref<64x1024xf32, #tpu.memory_space<vmem>>) target(%dma_start3A_27 : memref<64x1024xf32, #tpu.memory_space<hbm>>) target_semaphore(%arg8 : memref<!tpu.dma_semaphore, #tpu.memory_space<semaphore_mem>>)
    %dma_start3A_28 = arith.constant 1 : i32
    %dma_start3A_29 = arith.constant 0 : i32
    %dma_start3A_30 = tpu.memref_slice %arg3[%dma_start3A_28, %add3A_17, %dma_start3A_29] : memref<4x8192x1024xf32, #tpu.memory_space<hbm>> -> memref<1x64x1024xf32, #tpu.memory_space<hbm>>
    %dma_start3A_31 = tpu.memref_squeeze %dma_start3A_30 : memref<1x64x1024xf32, #tpu.memory_space<hbm>> -> memref<64x1024xf32, #tpu.memory_space<hbm>>
    %dma_start3A_32 = arith.constant 0 : i32
    %dma_start3A_33 = tpu.memref_slice %arg3[%dma_start3A_28, %add3A_17, %dma_start3A_32] : memref<4x8192x1024xf32, #tpu.memory_space<hbm>> -> memref<1x64x1024xf32, #tpu.memory_space<hbm>>
    %dma_start3A_34 = tpu.memref_squeeze %dma_start3A_33 : memref<1x64x1024xf32, #tpu.memory_space<hbm>> -> memref<64x1024xf32, #tpu.memory_space<hbm>>
    tpu.enqueue_dma source(%arg4 : memref<64x1024xf32, #tpu.memory_space<vmem>>) target(%dma_start3A_34 : memref<64x1024xf32, #tpu.memory_space<hbm>>) target_semaphore(%arg8 : memref<!tpu.dma_semaphore, #tpu.memory_space<semaphore_mem>>)
    %dma_start3A_35 = arith.constant 2 : i32
    %dma_start3A_36 = arith.constant 0 : i32
    %dma_start3A_37 = tpu.memref_slice %arg3[%dma_start3A_35, %add3A_17, %dma_start3A_36] : memref<4x8192x1024xf32, #tpu.memory_space<hbm>> -> memref<1x64x1024xf32, #tpu.memory_space<hbm>>
    %dma_start3A_38 = tpu.memref_squeeze %dma_start3A_37 : memref<1x64x1024xf32, #tpu.memory_space<hbm>> -> memref<64x1024xf32, #tpu.memory_space<hbm>>
    %dma_start3A_39 = arith.constant 0 : i32
    %dma_start3A_40 = tpu.memref_slice %arg3[%dma_start3A_35, %add3A_17, %dma_start3A_39] : memref<4x8192x1024xf32, #tpu.memory_space<hbm>> -> memref<1x64x1024xf32, #tpu.memory_space<hbm>>
    %dma_start3A_41 = tpu.memref_squeeze %dma_start3A_40 : memref<1x64x1024xf32, #tpu.memory_space<hbm>> -> memref<64x1024xf32, #tpu.memory_space<hbm>>
    tpu.enqueue_dma source(%arg4 : memref<64x1024xf32, #tpu.memory_space<vmem>>) target(%dma_start3A_41 : memref<64x1024xf32, #tpu.memory_space<hbm>>) target_semaphore(%arg8 : memref<!tpu.dma_semaphore, #tpu.memory_space<semaphore_mem>>)
    %dma_start3A_42 = arith.constant 3 : i32
    %dma_start3A_43 = arith.constant 0 : i32
    %dma_start3A_44 = tpu.memref_slice %arg3[%dma_start3A_42, %add3A_17, %dma_start3A_43] : memref<4x8192x1024xf32, #tpu.memory_space<hbm>> -> memref<1x64x1024xf32, #tpu.memory_space<hbm>>
    %dma_start3A_45 = tpu.memref_squeeze %dma_start3A_44 : memref<1x64x1024xf32, #tpu.memory_space<hbm>> -> memref<64x1024xf32, #tpu.memory_space<hbm>>
    %dma_start3A_46 = arith.constant 0 : i32
    %dma_start3A_47 = tpu.memref_slice %arg3[%dma_start3A_42, %add3A_17, %dma_start3A_46] : memref<4x8192x1024xf32, #tpu.memory_space<hbm>> -> memref<1x64x1024xf32, #tpu.memory_space<hbm>>
    %dma_start3A_48 = tpu.memref_squeeze %dma_start3A_47 : memref<1x64x1024xf32, #tpu.memory_space<hbm>> -> memref<64x1024xf32, #tpu.memory_space<hbm>>
    tpu.enqueue_dma source(%arg4 : memref<64x1024xf32, #tpu.memory_space<vmem>>) target(%dma_start3A_48 : memref<64x1024xf32, #tpu.memory_space<hbm>>) target_semaphore(%arg8 : memref<!tpu.dma_semaphore, #tpu.memory_space<semaphore_mem>>)
    %add3A_49 = arith.constant 64 : i32
    %add3A_50 = arith.addi %mul3A_2, %add3A_49 : i32
    %dma_wait3A_51 = arith.constant 0 : i32
    %dma_wait3A_52 = arith.constant 0 : i32
    %dma_wait3A_53 = tpu.memref_slice %arg5[%arg1, %dma_wait3A_51, %dma_wait3A_52] : memref<16x64x1024xf32, #tpu.memory_space<vmem_shared>> -> memref<1x64x1024xf32, #tpu.memory_space<vmem_shared>>
    %dma_wait3A_54 = tpu.memref_squeeze %dma_wait3A_53 : memref<1x64x1024xf32, #tpu.memory_space<vmem_shared>> -> memref<64x1024xf32, #tpu.memory_space<vmem_shared>>
    %dma_wait3A_55 = arith.constant 0 : i32
    %dma_wait3A_56 = tpu.memref_slice %arg2[%add3A_9, %dma_wait3A_55] : memref<8192x1024xf32, #tpu.memory_space<hbm>> -> memref<64x1024xf32, #tpu.memory_space<hbm>>
    tpu.wait_dma2 semaphore(%arg7 : memref<!tpu.dma_semaphore, #tpu.memory_space<semaphore_mem>>) src(%dma_wait3A_56 : memref<64x1024xf32, #tpu.memory_space<hbm>>) dst(%dma_wait3A_54 : memref<64x1024xf32, #tpu.memory_space<vmem_shared>>)
    %dma_start3A_57 = arith.constant 0 : i32
    %dma_start3A_58 = arith.constant 0 : i32
    %dma_start3A_59 = tpu.memref_slice %arg3[%dma_start3A_57, %add3A_50, %dma_start3A_58] : memref<4x8192x1024xf32, #tpu.memory_space<hbm>> -> memref<1x64x1024xf32, #tpu.memory_space<hbm>>
    %dma_start3A_60 = tpu.memref_squeeze %dma_start3A_59 : memref<1x64x1024xf32, #tpu.memory_space<hbm>> -> memref<64x1024xf32, #tpu.memory_space<hbm>>
    %dma_start3A_61 = arith.constant 0 : i32
    %dma_start3A_62 = arith.constant 0 : i32
    %dma_start3A_63 = tpu.memref_slice %arg5[%arg1, %dma_start3A_61, %dma_start3A_62] : memref<16x64x1024xf32, #tpu.memory_space<vmem_shared>> -> memref<1x64x1024xf32, #tpu.memory_space<vmem_shared>>
    %dma_start3A_64 = tpu.memref_squeeze %dma_start3A_63 : memref<1x64x1024xf32, #tpu.memory_space<vmem_shared>> -> memref<64x1024xf32, #tpu.memory_space<vmem_shared>>
    tpu.enqueue_dma source(%dma_start3A_64 : memref<64x1024xf32, #tpu.memory_space<vmem_shared>>) target(%dma_start3A_60 : memref<64x1024xf32, #tpu.memory_space<hbm>>) target_semaphore(%arg9 : memref<!tpu.dma_semaphore, #tpu.memory_space<semaphore_mem>>)
    %dma_start3A_65 = arith.constant 1 : i32
    %dma_start3A_66 = arith.constant 0 : i32
    %dma_start3A_67 = tpu.memref_slice %arg3[%dma_start3A_65, %add3A_50, %dma_start3A_66] : memref<4x8192x1024xf32, #tpu.memory_space<hbm>> -> memref<1x64x1024xf32, #tpu.memory_space<hbm>>
    %dma_start3A_68 = tpu.memref_squeeze %dma_start3A_67 : memref<1x64x1024xf32, #tpu.memory_space<hbm>> -> memref<64x1024xf32, #tpu.memory_space<hbm>>
    %dma_start3A_69 = arith.constant 0 : i32
    %dma_start3A_70 = arith.constant 0 : i32
    %dma_start3A_71 = tpu.memref_slice %arg5[%arg1, %dma_start3A_69, %dma_start3A_70] : memref<16x64x1024xf32, #tpu.memory_space<vmem_shared>> -> memref<1x64x1024xf32, #tpu.memory_space<vmem_shared>>
    %dma_start3A_72 = tpu.memref_squeeze %dma_start3A_71 : memref<1x64x1024xf32, #tpu.memory_space<vmem_shared>> -> memref<64x1024xf32, #tpu.memory_space<vmem_shared>>
    tpu.enqueue_dma source(%dma_start3A_72 : memref<64x1024xf32, #tpu.memory_space<vmem_shared>>) target(%dma_start3A_68 : memref<64x1024xf32, #tpu.memory_space<hbm>>) target_semaphore(%arg9 : memref<!tpu.dma_semaphore, #tpu.memory_space<semaphore_mem>>)
    %dma_start3A_73 = arith.constant 2 : i32
    %dma_start3A_74 = arith.constant 0 : i32
    %dma_start3A_75 = tpu.memref_slice %arg3[%dma_start3A_73, %add3A_50, %dma_start3A_74] : memref<4x8192x1024xf32, #tpu.memory_space<hbm>> -> memref<1x64x1024xf32, #tpu.memory_space<hbm>>
    %dma_start3A_76 = tpu.memref_squeeze %dma_start3A_75 : memref<1x64x1024xf32, #tpu.memory_space<hbm>> -> memref<64x1024xf32, #tpu.memory_space<hbm>>
    %dma_start3A_77 = arith.constant 0 : i32
    %dma_start3A_78 = arith.constant 0 : i32
    %dma_start3A_79 = tpu.memref_slice %arg5[%arg1, %dma_start3A_77, %dma_start3A_78] : memref<16x64x1024xf32, #tpu.memory_space<vmem_shared>> -> memref<1x64x1024xf32, #tpu.memory_space<vmem_shared>>
    %dma_start3A_80 = tpu.memref_squeeze %dma_start3A_79 : memref<1x64x1024xf32, #tpu.memory_space<vmem_shared>> -> memref<64x1024xf32, #tpu.memory_space<vmem_shared>>
    tpu.enqueue_dma source(%dma_start3A_80 : memref<64x1024xf32, #tpu.memory_space<vmem_shared>>) target(%dma_start3A_76 : memref<64x1024xf32, #tpu.memory_space<hbm>>) target_semaphore(%arg9 : memref<!tpu.dma_semaphore, #tpu.memory_space<semaphore_mem>>)
    %dma_start3A_81 = arith.constant 3 : i32
    %dma_start3A_82 = arith.constant 0 : i32
    %dma_start3A_83 = tpu.memref_slice %arg3[%dma_start3A_81, %add3A_50, %dma_start3A_82] : memref<4x8192x1024xf32, #tpu.memory_space<hbm>> -> memref<1x64x1024xf32, #tpu.memory_space<hbm>>
    %dma_start3A_84 = tpu.memref_squeeze %dma_start3A_83 : memref<1x64x1024xf32, #tpu.memory_space<hbm>> -> memref<64x1024xf32, #tpu.memory_space<hbm>>
    %dma_start3A_85 = arith.constant 0 : i32
    %dma_start3A_86 = arith.constant 0 : i32
    %dma_start3A_87 = tpu.memref_slice %arg5[%arg1, %dma_start3A_85, %dma_start3A_86] : memref<16x64x1024xf32, #tpu.memory_space<vmem_shared>> -> memref<1x64x1024xf32, #tpu.memory_space<vmem_shared>>
    %dma_start3A_88 = tpu.memref_squeeze %dma_start3A_87 : memref<1x64x1024xf32, #tpu.memory_space<vmem_shared>> -> memref<64x1024xf32, #tpu.memory_space<vmem_shared>>
    tpu.enqueue_dma source(%dma_start3A_88 : memref<64x1024xf32, #tpu.memory_space<vmem_shared>>) target(%dma_start3A_84 : memref<64x1024xf32, #tpu.memory_space<hbm>>) target_semaphore(%arg9 : memref<!tpu.dma_semaphore, #tpu.memory_space<semaphore_mem>>)
    %dma_wait3A_89 = arith.constant 0 : i32
    %dma_wait3A_90 = arith.constant 0 : i32
    %dma_wait3A_91 = tpu.memref_slice %arg3[%dma_wait3A_89, %add3A_17, %dma_wait3A_90] : memref<4x8192x1024xf32, #tpu.memory_space<hbm>> -> memref<1x64x1024xf32, #tpu.memory_space<hbm>>
    %dma_wait3A_92 = tpu.memref_squeeze %dma_wait3A_91 : memref<1x64x1024xf32, #tpu.memory_space<hbm>> -> memref<64x1024xf32, #tpu.memory_space<hbm>>
    %dma_wait3A_93 = arith.constant 0 : i32
    %dma_wait3A_94 = tpu.memref_slice %arg3[%dma_wait3A_89, %add3A_17, %dma_wait3A_93] : memref<4x8192x1024xf32, #tpu.memory_space<hbm>> -> memref<1x64x1024xf32, #tpu.memory_space<hbm>>
    %dma_wait3A_95 = tpu.memref_squeeze %dma_wait3A_94 : memref<1x64x1024xf32, #tpu.memory_space<hbm>> -> memref<64x1024xf32, #tpu.memory_space<hbm>>
    tpu.wait_dma2 semaphore(%arg8 : memref<!tpu.dma_semaphore, #tpu.memory_space<semaphore_mem>>) src(%arg4 : memref<64x1024xf32, #tpu.memory_space<vmem>>) dst(%dma_wait3A_95 : memref<64x1024xf32, #tpu.memory_space<hbm>>)
    %dma_wait3A_96 = arith.constant 1 : i32
    %dma_wait3A_97 = arith.constant 0 : i32
    %dma_wait3A_98 = tpu.memref_slice %arg3[%dma_wait3A_96, %add3A_17, %dma_wait3A_97] : memref<4x8192x1024xf32, #tpu.memory_space<hbm>> -> memref<1x64x1024xf32, #tpu.memory_space<hbm>>
    %dma_wait3A_99 = tpu.memref_squeeze %dma_wait3A_98 : memref<1x64x1024xf32, #tpu.memory_space<hbm>> -> memref<64x1024xf32, #tpu.memory_space<hbm>>
    %dma_wait3A_100 = arith.constant 0 : i32
    %dma_wait3A_101 = tpu.memref_slice %arg3[%dma_wait3A_96, %add3A_17, %dma_wait3A_100] : memref<4x8192x1024xf32, #tpu.memory_space<hbm>> -> memref<1x64x1024xf32, #tpu.memory_space<hbm>>
    %dma_wait3A_102 = tpu.memref_squeeze %dma_wait3A_101 : memref<1x64x1024xf32, #tpu.memory_space<hbm>> -> memref<64x1024xf32, #tpu.memory_space<hbm>>
    tpu.wait_dma2 semaphore(%arg8 : memref<!tpu.dma_semaphore, #tpu.memory_space<semaphore_mem>>) src(%arg4 : memref<64x1024xf32, #tpu.memory_space<vmem>>) dst(%dma_wait3A_102 : memref<64x1024xf32, #tpu.memory_space<hbm>>)
    %dma_wait3A_103 = arith.constant 2 : i32
    %dma_wait3A_104 = arith.constant 0 : i32
    %dma_wait3A_105 = tpu.memref_slice %arg3[%dma_wait3A_103, %add3A_17, %dma_wait3A_104] : memref<4x8192x1024xf32, #tpu.memory_space<hbm>> -> memref<1x64x1024xf32, #tpu.memory_space<hbm>>
    %dma_wait3A_106 = tpu.memref_squeeze %dma_wait3A_105 : memref<1x64x1024xf32, #tpu.memory_space<hbm>> -> memref<64x1024xf32, #tpu.memory_space<hbm>>
    %dma_wait3A_107 = arith.constant 0 : i32
    %dma_wait3A_108 = tpu.memref_slice %arg3[%dma_wait3A_103, %add3A_17, %dma_wait3A_107] : memref<4x8192x1024xf32, #tpu.memory_space<hbm>> -> memref<1x64x1024xf32, #tpu.memory_space<hbm>>
    %dma_wait3A_109 = tpu.memref_squeeze %dma_wait3A_108 : memref<1x64x1024xf32, #tpu.memory_space<hbm>> -> memref<64x1024xf32, #tpu.memory_space<hbm>>
    tpu.wait_dma2 semaphore(%arg8 : memref<!tpu.dma_semaphore, #tpu.memory_space<semaphore_mem>>) src(%arg4 : memref<64x1024xf32, #tpu.memory_space<vmem>>) dst(%dma_wait3A_109 : memref<64x1024xf32, #tpu.memory_space<hbm>>)
    %dma_wait3A_110 = arith.constant 3 : i32
    %dma_wait3A_111 = arith.constant 0 : i32
    %dma_wait3A_112 = tpu.memref_slice %arg3[%dma_wait3A_110, %add3A_17, %dma_wait3A_111] : memref<4x8192x1024xf32, #tpu.memory_space<hbm>> -> memref<1x64x1024xf32, #tpu.memory_space<hbm>>
    %dma_wait3A_113 = tpu.memref_squeeze %dma_wait3A_112 : memref<1x64x1024xf32, #tpu.memory_space<hbm>> -> memref<64x1024xf32, #tpu.memory_space<hbm>>
    %dma_wait3A_114 = arith.constant 0 : i32
    %dma_wait3A_115 = tpu.memref_slice %arg3[%dma_wait3A_110, %add3A_17, %dma_wait3A_114] : memref<4x8192x1024xf32, #tpu.memory_space<hbm>> -> memref<1x64x1024xf32, #tpu.memory_space<hbm>>
    %dma_wait3A_116 = tpu.memref_squeeze %dma_wait3A_115 : memref<1x64x1024xf32, #tpu.memory_space<hbm>> -> memref<64x1024xf32, #tpu.memory_space<hbm>>
    tpu.wait_dma2 semaphore(%arg8 : memref<!tpu.dma_semaphore, #tpu.memory_space<semaphore_mem>>) src(%arg4 : memref<64x1024xf32, #tpu.memory_space<vmem>>) dst(%dma_wait3A_116 : memref<64x1024xf32, #tpu.memory_space<hbm>>)
    %add3A_117 = arith.constant 128 : i32
    %add3A_118 = arith.addi %mul3A_2, %add3A_117 : i32
    %dma_start3A_119 = arith.constant 0 : i32
    %dma_start3A_120 = tpu.memref_slice %arg2[%add3A_118, %dma_start3A_119] : memref<8192x1024xf32, #tpu.memory_space<hbm>> -> memref<64x1024xf32, #tpu.memory_space<hbm>>
    %dma_start3A_121 = arith.constant 0 : i32
    %dma_start3A_122 = tpu.memref_slice %arg2[%add3A_118, %dma_start3A_121] : memref<8192x1024xf32, #tpu.memory_space<hbm>> -> memref<64x1024xf32, #tpu.memory_space<hbm>>
    tpu.enqueue_dma source(%dma_start3A_122 : memref<64x1024xf32, #tpu.memory_space<hbm>>) target(%arg4 : memref<64x1024xf32, #tpu.memory_space<vmem>>) target_semaphore(%arg6 : memref<!tpu.dma_semaphore, #tpu.memory_space<semaphore_mem>>)
    %add3A_123 = arith.constant 128 : i32
    %add3A_124 = arith.addi %mul3A_2, %add3A_123 : i32
    %dma_wait3A_125 = arith.constant 0 : i32
    %dma_wait3A_126 = tpu.memref_slice %arg2[%add3A_118, %dma_wait3A_125] : memref<8192x1024xf32, #tpu.memory_space<hbm>> -> memref<64x1024xf32, #tpu.memory_space<hbm>>
    %dma_wait3A_127 = arith.constant 0 : i32
    %dma_wait3A_128 = tpu.memref_slice %arg2[%add3A_118, %dma_wait3A_127] : memref<8192x1024xf32, #tpu.memory_space<hbm>> -> memref<64x1024xf32, #tpu.memory_space<hbm>>
    tpu.wait_dma2 semaphore(%arg6 : memref<!tpu.dma_semaphore, #tpu.memory_space<semaphore_mem>>) src(%dma_wait3A_128 : memref<64x1024xf32, #tpu.memory_space<hbm>>) dst(%arg4 : memref<64x1024xf32, #tpu.memory_space<vmem>>)
    %dma_start3A_129 = arith.constant 0 : i32
    %dma_start3A_130 = arith.constant 0 : i32
    %dma_start3A_131 = tpu.memref_slice %arg3[%dma_start3A_129, %add3A_124, %dma_start3A_130] : memref<4x8192x1024xf32, #tpu.memory_space<hbm>> -> memref<1x64x1024xf32, #tpu.memory_space<hbm>>
    %dma_start3A_132 = tpu.memref_squeeze %dma_start3A_131 : memref<1x64x1024xf32, #tpu.memory_space<hbm>> -> memref<64x1024xf32, #tpu.memory_space<hbm>>
    %dma_start3A_133 = arith.constant 0 : i32
    %dma_start3A_134 = tpu.memref_slice %arg3[%dma_start3A_129, %add3A_124, %dma_start3A_133] : memref<4x8192x1024xf32, #tpu.memory_space<hbm>> -> memref<1x64x1024xf32, #tpu.memory_space<hbm>>
    %dma_start3A_135 = tpu.memref_squeeze %dma_start3A_134 : memref<1x64x1024xf32, #tpu.memory_space<hbm>> -> memref<64x1024xf32, #tpu.memory_space<hbm>>
    tpu.enqueue_dma source(%arg4 : memref<64x1024xf32, #tpu.memory_space<vmem>>) target(%dma_start3A_135 : memref<64x1024xf32, #tpu.memory_space<hbm>>) target_semaphore(%arg8 : memref<!tpu.dma_semaphore, #tpu.memory_space<semaphore_mem>>)
    %dma_start3A_136 = arith.constant 1 : i32
    %dma_start3A_137 = arith.constant 0 : i32
    %dma_start3A_138 = tpu.memref_slice %arg3[%dma_start3A_136, %add3A_124, %dma_start3A_137] : memref<4x8192x1024xf32, #tpu.memory_space<hbm>> -> memref<1x64x1024xf32, #tpu.memory_space<hbm>>
    %dma_start3A_139 = tpu.memref_squeeze %dma_start3A_138 : memref<1x64x1024xf32, #tpu.memory_space<hbm>> -> memref<64x1024xf32, #tpu.memory_space<hbm>>
    %dma_start3A_140 = arith.constant 0 : i32
    %dma_start3A_141 = tpu.memref_slice %arg3[%dma_start3A_136, %add3A_124, %dma_start3A_140] : memref<4x8192x1024xf32, #tpu.memory_space<hbm>> -> memref<1x64x1024xf32, #tpu.memory_space<hbm>>
    %dma_start3A_142 = tpu.memref_squeeze %dma_start3A_141 : memref<1x64x1024xf32, #tpu.memory_space<hbm>> -> memref<64x1024xf32, #tpu.memory_space<hbm>>
    tpu.enqueue_dma source(%arg4 : memref<64x1024xf32, #tpu.memory_space<vmem>>) target(%dma_start3A_142 : memref<64x1024xf32, #tpu.memory_space<hbm>>) target_semaphore(%arg8 : memref<!tpu.dma_semaphore, #tpu.memory_space<semaphore_mem>>)
    %dma_start3A_143 = arith.constant 2 : i32
    %dma_start3A_144 = arith.constant 0 : i32
    %dma_start3A_145 = tpu.memref_slice %arg3[%dma_start3A_143, %add3A_124, %dma_start3A_144] : memref<4x8192x1024xf32, #tpu.memory_space<hbm>> -> memref<1x64x1024xf32, #tpu.memory_space<hbm>>
    %dma_start3A_146 = tpu.memref_squeeze %dma_start3A_145 : memref<1x64x1024xf32, #tpu.memory_space<hbm>> -> memref<64x1024xf32, #tpu.memory_space<hbm>>
    %dma_start3A_147 = arith.constant 0 : i32
    %dma_start3A_148 = tpu.memref_slice %arg3[%dma_start3A_143, %add3A_124, %dma_start3A_147] : memref<4x8192x1024xf32, #tpu.memory_space<hbm>> -> memref<1x64x1024xf32, #tpu.memory_space<hbm>>
    %dma_start3A_149 = tpu.memref_squeeze %dma_start3A_148 : memref<1x64x1024xf32, #tpu.memory_space<hbm>> -> memref<64x1024xf32, #tpu.memory_space<hbm>>
    tpu.enqueue_dma source(%arg4 : memref<64x1024xf32, #tpu.memory_space<vmem>>) target(%dma_start3A_149 : memref<64x1024xf32, #tpu.memory_space<hbm>>) target_semaphore(%arg8 : memref<!tpu.dma_semaphore, #tpu.memory_space<semaphore_mem>>)
    %dma_start3A_150 = arith.constant 3 : i32
    %dma_start3A_151 = arith.constant 0 : i32
    %dma_start3A_152 = tpu.memref_slice %arg3[%dma_start3A_150, %add3A_124, %dma_start3A_151] : memref<4x8192x1024xf32, #tpu.memory_space<hbm>> -> memref<1x64x1024xf32, #tpu.memory_space<hbm>>
    %dma_start3A_153 = tpu.memref_squeeze %dma_start3A_152 : memref<1x64x1024xf32, #tpu.memory_space<hbm>> -> memref<64x1024xf32, #tpu.memory_space<hbm>>
    %dma_start3A_154 = arith.constant 0 : i32
    %dma_start3A_155 = tpu.memref_slice %arg3[%dma_start3A_150, %add3A_124, %dma_start3A_154] : memref<4x8192x1024xf32, #tpu.memory_space<hbm>> -> memref<1x64x1024xf32, #tpu.memory_space<hbm>>
    %dma_start3A_156 = tpu.memref_squeeze %dma_start3A_155 : memref<1x64x1024xf32, #tpu.memory_space<hbm>> -> memref<64x1024xf32, #tpu.memory_space<hbm>>
    tpu.enqueue_dma source(%arg4 : memref<64x1024xf32, #tpu.memory_space<vmem>>) target(%dma_start3A_156 : memref<64x1024xf32, #tpu.memory_space<hbm>>) target_semaphore(%arg8 : memref<!tpu.dma_semaphore, #tpu.memory_space<semaphore_mem>>)
    %dma_wait3A_157 = arith.constant 0 : i32
    %dma_wait3A_158 = arith.constant 0 : i32
    %dma_wait3A_159 = tpu.memref_slice %arg3[%dma_wait3A_157, %add3A_50, %dma_wait3A_158] : memref<4x8192x1024xf32, #tpu.memory_space<hbm>> -> memref<1x64x1024xf32, #tpu.memory_space<hbm>>
    %dma_wait3A_160 = tpu.memref_squeeze %dma_wait3A_159 : memref<1x64x1024xf32, #tpu.memory_space<hbm>> -> memref<64x1024xf32, #tpu.memory_space<hbm>>
    %dma_wait3A_161 = arith.constant 0 : i32
    %dma_wait3A_162 = arith.constant 0 : i32
    %dma_wait3A_163 = tpu.memref_slice %arg5[%arg1, %dma_wait3A_161, %dma_wait3A_162] : memref<16x64x1024xf32, #tpu.memory_space<vmem_shared>> -> memref<1x64x1024xf32, #tpu.memory_space<vmem_shared>>
    %dma_wait3A_164 = tpu.memref_squeeze %dma_wait3A_163 : memref<1x64x1024xf32, #tpu.memory_space<vmem_shared>> -> memref<64x1024xf32, #tpu.memory_space<vmem_shared>>
    tpu.wait_dma2 semaphore(%arg9 : memref<!tpu.dma_semaphore, #tpu.memory_space<semaphore_mem>>) src(%dma_wait3A_164 : memref<64x1024xf32, #tpu.memory_space<vmem_shared>>) dst(%dma_wait3A_160 : memref<64x1024xf32, #tpu.memory_space<hbm>>)
    %dma_wait3A_165 = arith.constant 1 : i32
    %dma_wait3A_166 = arith.constant 0 : i32
    %dma_wait3A_167 = tpu.memref_slice %arg3[%dma_wait3A_165, %add3A_50, %dma_wait3A_166] : memref<4x8192x1024xf32, #tpu.memory_space<hbm>> -> memref<1x64x1024xf32, #tpu.memory_space<hbm>>
    %dma_wait3A_168 = tpu.memref_squeeze %dma_wait3A_167 : memref<1x64x1024xf32, #tpu.memory_space<hbm>> -> memref<64x1024xf32, #tpu.memory_space<hbm>>
    %dma_wait3A_169 = arith.constant 0 : i32
    %dma_wait3A_170 = arith.constant 0 : i32
    %dma_wait3A_171 = tpu.memref_slice %arg5[%arg1, %dma_wait3A_169, %dma_wait3A_170] : memref<16x64x1024xf32, #tpu.memory_space<vmem_shared>> -> memref<1x64x1024xf32, #tpu.memory_space<vmem_shared>>
    %dma_wait3A_172 = tpu.memref_squeeze %dma_wait3A_171 : memref<1x64x1024xf32, #tpu.memory_space<vmem_shared>> -> memref<64x1024xf32, #tpu.memory_space<vmem_shared>>
    tpu.wait_dma2 semaphore(%arg9 : memref<!tpu.dma_semaphore, #tpu.memory_space<semaphore_mem>>) src(%dma_wait3A_172 : memref<64x1024xf32, #tpu.memory_space<vmem_shared>>) dst(%dma_wait3A_168 : memref<64x1024xf32, #tpu.memory_space<hbm>>)
    %dma_wait3A_173 = arith.constant 2 : i32
    %dma_wait3A_174 = arith.constant 0 : i32
    %dma_wait3A_175 = tpu.memref_slice %arg3[%dma_wait3A_173, %add3A_50, %dma_wait3A_174] : memref<4x8192x1024xf32, #tpu.memory_space<hbm>> -> memref<1x64x1024xf32, #tpu.memory_space<hbm>>
    %dma_wait3A_176 = tpu.memref_squeeze %dma_wait3A_175 : memref<1x64x1024xf32, #tpu.memory_space<hbm>> -> memref<64x1024xf32, #tpu.memory_space<hbm>>
    %dma_wait3A_177 = arith.constant 0 : i32
    %dma_wait3A_178 = arith.constant 0 : i32
    %dma_wait3A_179 = tpu.memref_slice %arg5[%arg1, %dma_wait3A_177, %dma_wait3A_178] : memref<16x64x1024xf32, #tpu.memory_space<vmem_shared>> -> memref<1x64x1024xf32, #tpu.memory_space<vmem_shared>>
    %dma_wait3A_180 = tpu.memref_squeeze %dma_wait3A_179 : memref<1x64x1024xf32, #tpu.memory_space<vmem_shared>> -> memref<64x1024xf32, #tpu.memory_space<vmem_shared>>
    tpu.wait_dma2 semaphore(%arg9 : memref<!tpu.dma_semaphore, #tpu.memory_space<semaphore_mem>>) src(%dma_wait3A_180 : memref<64x1024xf32, #tpu.memory_space<vmem_shared>>) dst(%dma_wait3A_176 : memref<64x1024xf32, #tpu.memory_space<hbm>>)
    %dma_wait3A_181 = arith.constant 3 : i32
    %dma_wait3A_182 = arith.constant 0 : i32
    %dma_wait3A_183 = tpu.memref_slice %arg3[%dma_wait3A_181, %add3A_50, %dma_wait3A_182] : memref<4x8192x1024xf32, #tpu.memory_space<hbm>> -> memref<1x64x1024xf32, #tpu.memory_space<hbm>>
    %dma_wait3A_184 = tpu.memref_squeeze %dma_wait3A_183 : memref<1x64x1024xf32, #tpu.memory_space<hbm>> -> memref<64x1024xf32, #tpu.memory_space<hbm>>
    %dma_wait3A_185 = arith.constant 0 : i32
    %dma_wait3A_186 = arith.constant 0 : i32
    %dma_wait3A_187 = tpu.memref_slice %arg5[%arg1, %dma_wait3A_185, %dma_wait3A_186] : memref<16x64x1024xf32, #tpu.memory_space<vmem_shared>> -> memref<1x64x1024xf32, #tpu.memory_space<vmem_shared>>
    %dma_wait3A_188 = tpu.memref_squeeze %dma_wait3A_187 : memref<1x64x1024xf32, #tpu.memory_space<vmem_shared>> -> memref<64x1024xf32, #tpu.memory_space<vmem_shared>>
    tpu.wait_dma2 semaphore(%arg9 : memref<!tpu.dma_semaphore, #tpu.memory_space<semaphore_mem>>) src(%dma_wait3A_188 : memref<64x1024xf32, #tpu.memory_space<vmem_shared>>) dst(%dma_wait3A_184 : memref<64x1024xf32, #tpu.memory_space<hbm>>)
    %add3A_189 = arith.constant 192 : i32
    %add3A_190 = arith.addi %mul3A_2, %add3A_189 : i32
    %dma_start3A_191 = arith.constant 0 : i32
    %dma_start3A_192 = arith.constant 0 : i32
    %dma_start3A_193 = tpu.memref_slice %arg5[%arg1, %dma_start3A_191, %dma_start3A_192] : memref<16x64x1024xf32, #tpu.memory_space<vmem_shared>> -> memref<1x64x1024xf32, #tpu.memory_space<vmem_shared>>
    %dma_start3A_194 = tpu.memref_squeeze %dma_start3A_193 : memref<1x64x1024xf32, #tpu.memory_space<vmem_shared>> -> memref<64x1024xf32, #tpu.memory_space<vmem_shared>>
    %dma_start3A_195 = arith.constant 0 : i32
    %dma_start3A_196 = tpu.memref_slice %arg2[%add3A_190, %dma_start3A_195] : memref<8192x1024xf32, #tpu.memory_space<hbm>> -> memref<64x1024xf32, #tpu.memory_space<hbm>>
    tpu.enqueue_dma source(%dma_start3A_196 : memref<64x1024xf32, #tpu.memory_space<hbm>>) target(%dma_start3A_194 : memref<64x1024xf32, #tpu.memory_space<vmem_shared>>) target_semaphore(%arg7 : memref<!tpu.dma_semaphore, #tpu.memory_space<semaphore_mem>>)
    %add3A_197 = arith.constant 192 : i32
    %add3A_198 = arith.addi %mul3A_2, %add3A_197 : i32
    %dma_wait3A_199 = arith.constant 0 : i32
    %dma_wait3A_200 = arith.constant 0 : i32
    %dma_wait3A_201 = tpu.memref_slice %arg5[%arg1, %dma_wait3A_199, %dma_wait3A_200] : memref<16x64x1024xf32, #tpu.memory_space<vmem_shared>> -> memref<1x64x1024xf32, #tpu.memory_space<vmem_shared>>
    %dma_wait3A_202 = tpu.memref_squeeze %dma_wait3A_201 : memref<1x64x1024xf32, #tpu.memory_space<vmem_shared>> -> memref<64x1024xf32, #tpu.memory_space<vmem_shared>>
    %dma_wait3A_203 = arith.constant 0 : i32
    %dma_wait3A_204 = tpu.memref_slice %arg2[%add3A_190, %dma_wait3A_203] : memref<8192x1024xf32, #tpu.memory_space<hbm>> -> memref<64x1024xf32, #tpu.memory_space<hbm>>
    tpu.wait_dma2 semaphore(%arg7 : memref<!tpu.dma_semaphore, #tpu.memory_space<semaphore_mem>>) src(%dma_wait3A_204 : memref<64x1024xf32, #tpu.memory_space<hbm>>) dst(%dma_wait3A_202 : memref<64x1024xf32, #tpu.memory_space<vmem_shared>>)
    %dma_start3A_205 = arith.constant 0 : i32
    %dma_start3A_206 = arith.constant 0 : i32
    %dma_start3A_207 = tpu.memref_slice %arg3[%dma_start3A_205, %add3A_198, %dma_start3A_206] : memref<4x8192x1024xf32, #tpu.memory_space<hbm>> -> memref<1x64x1024xf32, #tpu.memory_space<hbm>>
    %dma_start3A_208 = tpu.memref_squeeze %dma_start3A_207 : memref<1x64x1024xf32, #tpu.memory_space<hbm>> -> memref<64x1024xf32, #tpu.memory_space<hbm>>
    %dma_start3A_209 = arith.constant 0 : i32
    %dma_start3A_210 = arith.constant 0 : i32
    %dma_start3A_211 = tpu.memref_slice %arg5[%arg1, %dma_start3A_209, %dma_start3A_210] : memref<16x64x1024xf32, #tpu.memory_space<vmem_shared>> -> memref<1x64x1024xf32, #tpu.memory_space<vmem_shared>>
    %dma_start3A_212 = tpu.memref_squeeze %dma_start3A_211 : memref<1x64x1024xf32, #tpu.memory_space<vmem_shared>> -> memref<64x1024xf32, #tpu.memory_space<vmem_shared>>
    tpu.enqueue_dma source(%dma_start3A_212 : memref<64x1024xf32, #tpu.memory_space<vmem_shared>>) target(%dma_start3A_208 : memref<64x1024xf32, #tpu.memory_space<hbm>>) target_semaphore(%arg9 : memref<!tpu.dma_semaphore, #tpu.memory_space<semaphore_mem>>)
    %dma_start3A_213 = arith.constant 1 : i32
    %dma_start3A_214 = arith.constant 0 : i32
    %dma_start3A_215 = tpu.memref_slice %arg3[%dma_start3A_213, %add3A_198, %dma_start3A_214] : memref<4x8192x1024xf32, #tpu.memory_space<hbm>> -> memref<1x64x1024xf32, #tpu.memory_space<hbm>>
    %dma_start3A_216 = tpu.memref_squeeze %dma_start3A_215 : memref<1x64x1024xf32, #tpu.memory_space<hbm>> -> memref<64x1024xf32, #tpu.memory_space<hbm>>
    %dma_start3A_217 = arith.constant 0 : i32
    %dma_start3A_218 = arith.constant 0 : i32
    %dma_start3A_219 = tpu.memref_slice %arg5[%arg1, %dma_start3A_217, %dma_start3A_218] : memref<16x64x1024xf32, #tpu.memory_space<vmem_shared>> -> memref<1x64x1024xf32, #tpu.memory_space<vmem_shared>>
    %dma_start3A_220 = tpu.memref_squeeze %dma_start3A_219 : memref<1x64x1024xf32, #tpu.memory_space<vmem_shared>> -> memref<64x1024xf32, #tpu.memory_space<vmem_shared>>
    tpu.enqueue_dma source(%dma_start3A_220 : memref<64x1024xf32, #tpu.memory_space<vmem_shared>>) target(%dma_start3A_216 : memref<64x1024xf32, #tpu.memory_space<hbm>>) target_semaphore(%arg9 : memref<!tpu.dma_semaphore, #tpu.memory_space<semaphore_mem>>)
    %dma_start3A_221 = arith.constant 2 : i32
    %dma_start3A_222 = arith.constant 0 : i32
    %dma_start3A_223 = tpu.memref_slice %arg3[%dma_start3A_221, %add3A_198, %dma_start3A_222] : memref<4x8192x1024xf32, #tpu.memory_space<hbm>> -> memref<1x64x1024xf32, #tpu.memory_space<hbm>>
    %dma_start3A_224 = tpu.memref_squeeze %dma_start3A_223 : memref<1x64x1024xf32, #tpu.memory_space<hbm>> -> memref<64x1024xf32, #tpu.memory_space<hbm>>
    %dma_start3A_225 = arith.constant 0 : i32
    %dma_start3A_226 = arith.constant 0 : i32
    %dma_start3A_227 = tpu.memref_slice %arg5[%arg1, %dma_start3A_225, %dma_start3A_226] : memref<16x64x1024xf32, #tpu.memory_space<vmem_shared>> -> memref<1x64x1024xf32, #tpu.memory_space<vmem_shared>>
    %dma_start3A_228 = tpu.memref_squeeze %dma_start3A_227 : memref<1x64x1024xf32, #tpu.memory_space<vmem_shared>> -> memref<64x1024xf32, #tpu.memory_space<vmem_shared>>
    tpu.enqueue_dma source(%dma_start3A_228 : memref<64x1024xf32, #tpu.memory_space<vmem_shared>>) target(%dma_start3A_224 : memref<64x1024xf32, #tpu.memory_space<hbm>>) target_semaphore(%arg9 : memref<!tpu.dma_semaphore, #tpu.memory_space<semaphore_mem>>)
    %dma_start3A_229 = arith.constant 3 : i32
    %dma_start3A_230 = arith.constant 0 : i32
    %dma_start3A_231 = tpu.memref_slice %arg3[%dma_start3A_229, %add3A_198, %dma_start3A_230] : memref<4x8192x1024xf32, #tpu.memory_space<hbm>> -> memref<1x64x1024xf32, #tpu.memory_space<hbm>>
    %dma_start3A_232 = tpu.memref_squeeze %dma_start3A_231 : memref<1x64x1024xf32, #tpu.memory_space<hbm>> -> memref<64x1024xf32, #tpu.memory_space<hbm>>
    %dma_start3A_233 = arith.constant 0 : i32
    %dma_start3A_234 = arith.constant 0 : i32
    %dma_start3A_235 = tpu.memref_slice %arg5[%arg1, %dma_start3A_233, %dma_start3A_234] : memref<16x64x1024xf32, #tpu.memory_space<vmem_shared>> -> memref<1x64x1024xf32, #tpu.memory_space<vmem_shared>>
    %dma_start3A_236 = tpu.memref_squeeze %dma_start3A_235 : memref<1x64x1024xf32, #tpu.memory_space<vmem_shared>> -> memref<64x1024xf32, #tpu.memory_space<vmem_shared>>
    tpu.enqueue_dma source(%dma_start3A_236 : memref<64x1024xf32, #tpu.memory_space<vmem_shared>>) target(%dma_start3A_232 : memref<64x1024xf32, #tpu.memory_space<hbm>>) target_semaphore(%arg9 : memref<!tpu.dma_semaphore, #tpu.memory_space<semaphore_mem>>)
    %dma_wait3A_237 = arith.constant 0 : i32
    %dma_wait3A_238 = arith.constant 0 : i32
    %dma_wait3A_239 = tpu.memref_slice %arg3[%dma_wait3A_237, %add3A_124, %dma_wait3A_238] : memref<4x8192x1024xf32, #tpu.memory_space<hbm>> -> memref<1x64x1024xf32, #tpu.memory_space<hbm>>
    %dma_wait3A_240 = tpu.memref_squeeze %dma_wait3A_239 : memref<1x64x1024xf32, #tpu.memory_space<hbm>> -> memref<64x1024xf32, #tpu.memory_space<hbm>>
    %dma_wait3A_241 = arith.constant 0 : i32
    %dma_wait3A_242 = tpu.memref_slice %arg3[%dma_wait3A_237, %add3A_124, %dma_wait3A_241] : memref<4x8192x1024xf32, #tpu.memory_space<hbm>> -> memref<1x64x1024xf32, #tpu.memory_space<hbm>>
    %dma_wait3A_243 = tpu.memref_squeeze %dma_wait3A_242 : memref<1x64x1024xf32, #tpu.memory_space<hbm>> -> memref<64x1024xf32, #tpu.memory_space<hbm>>
    tpu.wait_dma2 semaphore(%arg8 : memref<!tpu.dma_semaphore, #tpu.memory_space<semaphore_mem>>) src(%arg4 : memref<64x1024xf32, #tpu.memory_space<vmem>>) dst(%dma_wait3A_243 : memref<64x1024xf32, #tpu.memory_space<hbm>>)
    %dma_wait3A_244 = arith.constant 1 : i32
    %dma_wait3A_245 = arith.constant 0 : i32
    %dma_wait3A_246 = tpu.memref_slice %arg3[%dma_wait3A_244, %add3A_124, %dma_wait3A_245] : memref<4x8192x1024xf32, #tpu.memory_space<hbm>> -> memref<1x64x1024xf32, #tpu.memory_space<hbm>>
    %dma_wait3A_247 = tpu.memref_squeeze %dma_wait3A_246 : memref<1x64x1024xf32, #tpu.memory_space<hbm>> -> memref<64x1024xf32, #tpu.memory_space<hbm>>
    %dma_wait3A_248 = arith.constant 0 : i32
    %dma_wait3A_249 = tpu.memref_slice %arg3[%dma_wait3A_244, %add3A_124, %dma_wait3A_248] : memref<4x8192x1024xf32, #tpu.memory_space<hbm>> -> memref<1x64x1024xf32, #tpu.memory_space<hbm>>
    %dma_wait3A_250 = tpu.memref_squeeze %dma_wait3A_249 : memref<1x64x1024xf32, #tpu.memory_space<hbm>> -> memref<64x1024xf32, #tpu.memory_space<hbm>>
    tpu.wait_dma2 semaphore(%arg8 : memref<!tpu.dma_semaphore, #tpu.memory_space<semaphore_mem>>) src(%arg4 : memref<64x1024xf32, #tpu.memory_space<vmem>>) dst(%dma_wait3A_250 : memref<64x1024xf32, #tpu.memory_space<hbm>>)
    %dma_wait3A_251 = arith.constant 2 : i32
    %dma_wait3A_252 = arith.constant 0 : i32
    %dma_wait3A_253 = tpu.memref_slice %arg3[%dma_wait3A_251, %add3A_124, %dma_wait3A_252] : memref<4x8192x1024xf32, #tpu.memory_space<hbm>> -> memref<1x64x1024xf32, #tpu.memory_space<hbm>>
    %dma_wait3A_254 = tpu.memref_squeeze %dma_wait3A_253 : memref<1x64x1024xf32, #tpu.memory_space<hbm>> -> memref<64x1024xf32, #tpu.memory_space<hbm>>
    %dma_wait3A_255 = arith.constant 0 : i32
    %dma_wait3A_256 = tpu.memref_slice %arg3[%dma_wait3A_251, %add3A_124, %dma_wait3A_255] : memref<4x8192x1024xf32, #tpu.memory_space<hbm>> -> memref<1x64x1024xf32, #tpu.memory_space<hbm>>
    %dma_wait3A_257 = tpu.memref_squeeze %dma_wait3A_256 : memref<1x64x1024xf32, #tpu.memory_space<hbm>> -> memref<64x1024xf32, #tpu.memory_space<hbm>>
    tpu.wait_dma2 semaphore(%arg8 : memref<!tpu.dma_semaphore, #tpu.memory_space<semaphore_mem>>) src(%arg4 : memref<64x1024xf32, #tpu.memory_space<vmem>>) dst(%dma_wait3A_257 : memref<64x1024xf32, #tpu.memory_space<hbm>>)
    %dma_wait3A_258 = arith.constant 3 : i32
    %dma_wait3A_259 = arith.constant 0 : i32
    %dma_wait3A_260 = tpu.memref_slice %arg3[%dma_wait3A_258, %add3A_124, %dma_wait3A_259] : memref<4x8192x1024xf32, #tpu.memory_space<hbm>> -> memref<1x64x1024xf32, #tpu.memory_space<hbm>>
    %dma_wait3A_261 = tpu.memref_squeeze %dma_wait3A_260 : memref<1x64x1024xf32, #tpu.memory_space<hbm>> -> memref<64x1024xf32, #tpu.memory_space<hbm>>
    %dma_wait3A_262 = arith.constant 0 : i32
    %dma_wait3A_263 = tpu.memref_slice %arg3[%dma_wait3A_258, %add3A_124, %dma_wait3A_262] : memref<4x8192x1024xf32, #tpu.memory_space<hbm>> -> memref<1x64x1024xf32, #tpu.memory_space<hbm>>
    %dma_wait3A_264 = tpu.memref_squeeze %dma_wait3A_263 : memref<1x64x1024xf32, #tpu.memory_space<hbm>> -> memref<64x1024xf32, #tpu.memory_space<hbm>>
    tpu.wait_dma2 semaphore(%arg8 : memref<!tpu.dma_semaphore, #tpu.memory_space<semaphore_mem>>) src(%arg4 : memref<64x1024xf32, #tpu.memory_space<vmem>>) dst(%dma_wait3A_264 : memref<64x1024xf32, #tpu.memory_space<hbm>>)
    %dma_wait3A_265 = arith.constant 0 : i32
    %dma_wait3A_266 = arith.constant 0 : i32
    %dma_wait3A_267 = tpu.memref_slice %arg3[%dma_wait3A_265, %add3A_198, %dma_wait3A_266] : memref<4x8192x1024xf32, #tpu.memory_space<hbm>> -> memref<1x64x1024xf32, #tpu.memory_space<hbm>>
    %dma_wait3A_268 = tpu.memref_squeeze %dma_wait3A_267 : memref<1x64x1024xf32, #tpu.memory_space<hbm>> -> memref<64x1024xf32, #tpu.memory_space<hbm>>
    %dma_wait3A_269 = arith.constant 0 : i32
    %dma_wait3A_270 = arith.constant 0 : i32
    %dma_wait3A_271 = tpu.memref_slice %arg5[%arg1, %dma_wait3A_269, %dma_wait3A_270] : memref<16x64x1024xf32, #tpu.memory_space<vmem_shared>> -> memref<1x64x1024xf32, #tpu.memory_space<vmem_shared>>
    %dma_wait3A_272 = tpu.memref_squeeze %dma_wait3A_271 : memref<1x64x1024xf32, #tpu.memory_space<vmem_shared>> -> memref<64x1024xf32, #tpu.memory_space<vmem_shared>>
    tpu.wait_dma2 semaphore(%arg9 : memref<!tpu.dma_semaphore, #tpu.memory_space<semaphore_mem>>) src(%dma_wait3A_272 : memref<64x1024xf32, #tpu.memory_space<vmem_shared>>) dst(%dma_wait3A_268 : memref<64x1024xf32, #tpu.memory_space<hbm>>)
    %dma_wait3A_273 = arith.constant 1 : i32
    %dma_wait3A_274 = arith.constant 0 : i32
    %dma_wait3A_275 = tpu.memref_slice %arg3[%dma_wait3A_273, %add3A_198, %dma_wait3A_274] : memref<4x8192x1024xf32, #tpu.memory_space<hbm>> -> memref<1x64x1024xf32, #tpu.memory_space<hbm>>
    %dma_wait3A_276 = tpu.memref_squeeze %dma_wait3A_275 : memref<1x64x1024xf32, #tpu.memory_space<hbm>> -> memref<64x1024xf32, #tpu.memory_space<hbm>>
    %dma_wait3A_277 = arith.constant 0 : i32
    %dma_wait3A_278 = arith.constant 0 : i32
    %dma_wait3A_279 = tpu.memref_slice %arg5[%arg1, %dma_wait3A_277, %dma_wait3A_278] : memref<16x64x1024xf32, #tpu.memory_space<vmem_shared>> -> memref<1x64x1024xf32, #tpu.memory_space<vmem_shared>>
    %dma_wait3A_280 = tpu.memref_squeeze %dma_wait3A_279 : memref<1x64x1024xf32, #tpu.memory_space<vmem_shared>> -> memref<64x1024xf32, #tpu.memory_space<vmem_shared>>
    tpu.wait_dma2 semaphore(%arg9 : memref<!tpu.dma_semaphore, #tpu.memory_space<semaphore_mem>>) src(%dma_wait3A_280 : memref<64x1024xf32, #tpu.memory_space<vmem_shared>>) dst(%dma_wait3A_276 : memref<64x1024xf32, #tpu.memory_space<hbm>>)
    %dma_wait3A_281 = arith.constant 2 : i32
    %dma_wait3A_282 = arith.constant 0 : i32
    %dma_wait3A_283 = tpu.memref_slice %arg3[%dma_wait3A_281, %add3A_198, %dma_wait3A_282] : memref<4x8192x1024xf32, #tpu.memory_space<hbm>> -> memref<1x64x1024xf32, #tpu.memory_space<hbm>>
    %dma_wait3A_284 = tpu.memref_squeeze %dma_wait3A_283 : memref<1x64x1024xf32, #tpu.memory_space<hbm>> -> memref<64x1024xf32, #tpu.memory_space<hbm>>
    %dma_wait3A_285 = arith.constant 0 : i32
    %dma_wait3A_286 = arith.constant 0 : i32
    %dma_wait3A_287 = tpu.memref_slice %arg5[%arg1, %dma_wait3A_285, %dma_wait3A_286] : memref<16x64x1024xf32, #tpu.memory_space<vmem_shared>> -> memref<1x64x1024xf32, #tpu.memory_space<vmem_shared>>
    %dma_wait3A_288 = tpu.memref_squeeze %dma_wait3A_287 : memref<1x64x1024xf32, #tpu.memory_space<vmem_shared>> -> memref<64x1024xf32, #tpu.memory_space<vmem_shared>>
    tpu.wait_dma2 semaphore(%arg9 : memref<!tpu.dma_semaphore, #tpu.memory_space<semaphore_mem>>) src(%dma_wait3A_288 : memref<64x1024xf32, #tpu.memory_space<vmem_shared>>) dst(%dma_wait3A_284 : memref<64x1024xf32, #tpu.memory_space<hbm>>)
    %dma_wait3A_289 = arith.constant 3 : i32
    %dma_wait3A_290 = arith.constant 0 : i32
    %dma_wait3A_291 = tpu.memref_slice %arg3[%dma_wait3A_289, %add3A_198, %dma_wait3A_290] : memref<4x8192x1024xf32, #tpu.memory_space<hbm>> -> memref<1x64x1024xf32, #tpu.memory_space<hbm>>
    %dma_wait3A_292 = tpu.memref_squeeze %dma_wait3A_291 : memref<1x64x1024xf32, #tpu.memory_space<hbm>> -> memref<64x1024xf32, #tpu.memory_space<hbm>>
    %dma_wait3A_293 = arith.constant 0 : i32
    %dma_wait3A_294 = arith.constant 0 : i32
    %dma_wait3A_295 = tpu.memref_slice %arg5[%arg1, %dma_wait3A_293, %dma_wait3A_294] : memref<16x64x1024xf32, #tpu.memory_space<vmem_shared>> -> memref<1x64x1024xf32, #tpu.memory_space<vmem_shared>>
    %dma_wait3A_296 = tpu.memref_squeeze %dma_wait3A_295 : memref<1x64x1024xf32, #tpu.memory_space<vmem_shared>> -> memref<64x1024xf32, #tpu.memory_space<vmem_shared>>
    tpu.wait_dma2 semaphore(%arg9 : memref<!tpu.dma_semaphore, #tpu.memory_space<semaphore_mem>>) src(%dma_wait3A_296 : memref<64x1024xf32, #tpu.memory_space<vmem_shared>>) dst(%dma_wait3A_292 : memref<64x1024xf32, #tpu.memory_space<hbm>>)
    return
  }
}

</mosaic_0001>

<sc_bundles>
// kernel: kernel.3.cloned.1.call-start
scs
__scs_entry_jumppad:
0x0: {  	(pc) =	sbr.rel $0x88, $3  }
0x1: {  	(tag) =	ssettag $0x0;
	lr =	simm.s32 $0x1  }
0x2: {  	[smem:$0x3FA0] =	sst lr;
	_ =	strace $0xD0000000  }
0x3: {  	_ = 	snop  }
0x4: {  	_ = 	snop  }
0x5: {  	_ = 	snop  }
0x6: {  	_ = 	snop  }
0x7: {  	_ = 	snop  }
__scs_overlays_trampoline_lowered:
0x8: {  	[smem:$0x3FAF] =	sst s0  }
0x9: {  	[smem:$0x3FB0] =	sst s1  }
0xa: {  	[smem:$0x3FB1] =	sst s2  }
0xb: {  	[smem:$0x3FB2] =	sst s3  }
0xc: {  	[smem:$0x3FB3] =	sst s4  }
0xd: {  	[smem:$0x3FB4] =	sst s5  }
0xe: {  	[smem:$0x3FB5] =	sst s6  }
0xf: {  	[smem:$0x3FB6] =	sst s7  }
0x10: {  	[smem:$0x3FB7] =	sst s8  }
0x11: {  	[smem:$0x3FB8] =	sst s9;
	s0 =	simm.s32 @!p0 $0x0  }
0x12: {  	s1 =	sld [smem:$0x3F9E];
	s0 =	simm.s32 @p0 $0x1  }
0x13: {  	[smem:$0x3FB9] =	sst s0;
	s0 =	simm.s32 @!p1 $0x0  }
0x14: {  	s2 =	sld [smem:$0x3F9D];
	s0 =	simm.s32 @p1 $0x1  }
0x15: {  	[smem:$0x3FBA] =	sst s0;
	s0 =	simm.s32 @!p2 $0x0  }
0x16: {  	s3 =	sld [smem:$0x3FDB];
	s0 =	simm.s32 @p2 $0x1  }
0x17: {  	s4 =	simm.s32 $0x1BF5;
	[smem:$0x3FBC] =	sst s0  }
0x18: {  	s0 =	sld [smem:$0x3F9F];
	_ =	swait.ge [sflag:s4], $0x0  }
0x19: {  	s7 =	sld [smem:$0x3FA0]  }
0x1a: {  	s8 =	sadd.s32 $0xFFFFE003, lr  }
0x1b: {  	s9 =	sadd.s32 $0xFFFFFEF7, lr;
	s5 =	simm.s32 $0xFFFFFFFF;
	p2 =	slt.u32 s8, $0xFFFFF086  }
0x1c: {  	p1 =	slt.u32 s9, $0xF7A;
	s5 =	simm.s32 @!p2 $0x0  }
0x1d: {  	s5 =	simm.s32 @p1 $0x1;
	p0 =	seq.s32 s7, s2  }
0x1e: {  	s7 =	smul.u32 @!p0 $0xF7A, s2;
	p2 =	seq.s32 @!p0 s5, $0x0  }
0x1f: {  	s9 =	smul.u32 $0xF7A, s1;
	s8 =	simm.s32 @!p0 $0x1BF5;
	p2 =	por !p2, p0  }
0x20: {  	[sflag:s8] =	ssyncset.s32 @!p0 $0xFFFFF086;
	s6 =	sadd.s32 @!p0 s3, s7;
	s7 =	simm.s32 @!p0 $0x108  }
0x21: {  	s3 =	sadd.s32 s3, s9;
	s6 =	sadd.s32 @!p0 $0x88, s6;
	s7 =	simm.s32 @p2 $0x1082  }
0x22: {  	[simem:s7], [sflag:s8] =	dma.local @!p0 [hbm:s6], $0xF7A  }
0x23: {  	s9 =	sor.u32 $0xD0000000, s2;
	s6 =	simm.s32 $0x108;
	_ =	swait.ge @!p0 [sflag:s8], $0x0  }
0x24: {  	s3 =	sadd.s32 $0x88, s3;
	s6 =	simm.s32 @!p1 $0x1082;
	[sflag:s4] =	ssyncset.s32 $0xFFFFF086  }
0x25: {  	[simem:s6], [sflag:s4] =	dma.local [hbm:s3], $0xF7A  }
0x26: {  	[smem:$0x3FA0] =	sst s1;
	(tag) =	ssettag s2;
	_ =	strace s9  }
0x27: {  	s1 =	sld [smem:$0x3FB0]  }
0x28: {  	s2 =	sld [smem:$0x3FB1]  }
0x29: {  	s4 =	sld [smem:$0x3FB3]  }
0x2a: {  	p0 =	seq.s32 s5, $0x0;
	s5 =	sld [smem:$0x3FB4]  }
0x2b: {  	s6 =	sld [smem:$0x3FB5]  }
0x2c: {  	s7 =	sld [smem:$0x3FB6]  }
0x2d: {  	s3 =	simm.s32 $0x108;
	s8 =	sld [smem:$0x3FB7]  }
0x2e: {  	s3 =	simm.s32 @!p0 $0x1082;
	s9 =	sld [smem:$0x3FB8]  }
0x2f: {  	lr =	sadd.s32 s0, s3;
	s0 =	sld [smem:$0x3FAF]  }
0x30: {  	s3 =	sld [smem:$0x3FB2]  }
0x31: {  	[smem:$0x3FBB] =	sst s10  }
0x32: {  	s10 =	sld [smem:$0x3FB9];
	_ =	sdelay $0x3  }
0x33: {  	p0 =	seq.s32 s10, $0x1;
	s10 =	sld [smem:$0x3FBB];
	_ =	sdelay $0x3  }
0x34: {  	[smem:$0x3FBB] =	sst s10  }
0x35: {  	s10 =	sld [smem:$0x3FBA];
	_ =	sdelay $0x3  }
0x36: {  	p1 =	seq.s32 s10, $0x1;
	s10 =	sld [smem:$0x3FBB];
	_ =	sdelay $0x3  }
0x37: {  	[smem:$0x3FBB] =	sst s10  }
0x38: {  	s10 =	sld [smem:$0x3FBC]  }
0x39: {  	_ = 	snop;
	(pc) =	sbr.ind lr, $3  }
0x3a: {  	_ = 	snop  }
0x3b: {  	_ = 	snop  }
0x3c: {  	p2 =	seq.s32 s10, $0x1;
	s10 =	sld [smem:$0x3FBB]  }
0x3d: {  	_ =	shalt  }
0x3e: {  	_ =	shalt  }
0x3f: {  	_ =	shalt  }
0x40: {  	_ =	shalt  }
0x41: {  	_ =	shalt  }
0x42: {  	_ =	shalt  }
0x43: {  	_ =	shalt  }
0x44: {  	_ =	shalt  }
0x45: {  	_ =	shalt  }
0x46: {  	_ =	shalt  }
0x47: {  	_ =	shalt  }
0x48: {  	_ =	shalt  }
0x49: {  	_ =	shalt  }
0x4a: {  	_ =	shalt  }
0x4b: {  	_ =	shalt  }
0x4c: {  	_ =	shalt  }
0x4d: {  	_ =	shalt  }
0x4e: {  	_ =	shalt  }
0x4f: {  	_ =	shalt  }
0x50: {  	_ =	shalt  }
0x51: {  	_ =	shalt  }
0x52: {  	_ =	shalt  }
0x53: {  	_ =	shalt  }
0x54: {  	_ =	shalt  }
0x55: {  	_ =	shalt  }
0x56: {  	_ =	shalt  }
0x57: {  	_ =	shalt  }
0x58: {  	_ =	shalt  }
0x59: {  	_ =	shalt  }
0x5a: {  	_ =	shalt  }
0x5b: {  	_ =	shalt  }
0x5c: {  	_ =	shalt  }
0x5d: {  	_ =	shalt  }
0x5e: {  	_ =	shalt  }
0x5f: {  	_ =	shalt  }
0x60: {  	_ =	shalt  }
0x61: {  	_ =	shalt  }
0x62: {  	_ =	shalt  }
0x63: {  	_ =	shalt  }
0x64: {  	_ =	shalt  }
0x65: {  	_ =	shalt  }
0x66: {  	_ =	shalt  }
0x67: {  	_ =	shalt  }
0x68: {  	_ =	shalt  }
0x69: {  	_ =	shalt  }
0x6a: {  	_ =	shalt  }
0x6b: {  	_ =	shalt  }
0x6c: {  	_ =	shalt  }
0x6d: {  	_ =	shalt  }
0x6e: {  	_ =	shalt  }
0x6f: {  	_ =	shalt  }
0x70: {  	_ =	shalt  }
0x71: {  	_ =	shalt  }
0x72: {  	_ =	shalt  }
0x73: {  	_ =	shalt  }
0x74: {  	_ =	shalt  }
0x75: {  	_ =	shalt  }
0x76: {  	_ =	shalt  }
0x77: {  	_ =	shalt  }
0x78: {  	_ =	shalt  }
0x79: {  	_ =	shalt  }
0x7a: {  	_ =	shalt  }
0x7b: {  	_ =	shalt  }
0x7c: {  	_ =	shalt  }
0x7d: {  	_ =	shalt  }
0x7e: {  	_ =	shalt  }
0x7f: {  	_ =	shalt  }
0x80: {  	_ =	shalt  }
0x81: {  	_ =	shalt  }
0x82: {  	_ =	shalt  }
0x83: {  	_ =	shalt  }
0x84: {  	_ =	shalt  }
0x85: {  	_ =	shalt  }
0x86: {  	_ =	shalt  }
0x87: {  	_ =	shalt  }
.Lfunc_end0:
.L_simem_size_0:
called_computation_lowered:
.L_overlay_start_0:
0x88: {  	s2 =	sld [smem:$0x3FD9]  }
0x89: {  	s3 =	sld [smem:$0x3FFE];
	_ =	sdelay $0x1  }
0x8a: {  	s1 =	srdreg.scid  }
0x8b: {  	s0 =	sand.u32 $0x1, s1  }
0x8c: {  	s18 =	sshll.u32 s0, $0xA;
	s2 =	sadd.s32 s3, s2  }
0x8d: {  	s2 =	sadd.s32 s2, s18  }
0x8e: {  	[smem:$0x3FC7] =	sst s2  }
0x8f: {  	_ = 	snop  }
0x90: {  	s2 =	sld [smem:$0x3FC9]  }
0x91: {  	s19 =	sld [smem:$0x3FD0];
	(tm) =	ssettm $0x1  }
0x92: {  	s4 =	sld [smem:$0x3FFB];
	_ =	sdelay $0x3  }
0x93: {  	_ =	strace s4  }
0x94: {  	s4 =	sld [smem:$0x3FFC];
	_ =	sdelay $0x3  }
0x95: {  	_ =	strace s4  }
0x96: {  	s4 =	sld [smem:$0x3FFD];
	_ =	sdelay $0x3  }
0x97: {  	_ =	strace s4  }
0x98: {  	_ =	strace $0x8FFFFFFF  }
0x99: {  	s20 =	sld [smem:$0x3FDB];
	_ =	sdelay $0x1  }
0x9a: {  	s5 =	simm.s32 $_scs_section_size  }
0x9b: {  	s6 =	simm.s32 $_size__tile_overlayer_lowered;
	s7 =	simm.s32 $_tile_overlayer_lowered  }
0x9c: {  	s23 =	simm.s32 $0x1BFF;
	s22 =	sshll.u32 s7, $0x1;
	s4 =	sadd.s32 s5, s20  }
0x9d: {  	s8 =	simm.s32 $0x0;
	s21 =	sshll.u32 s6, $0x1;
	s6 =	sadd.s32 s22, s4  }
0x9e: {  	[timem:s8], [sflag:s23] =	dma.local [hbm:s6], s21  }
0x9f: {  	_ =	swait.ge [sflag:s23], s21  }
0xa0: {  	s5 =	ssub.s32 $0x0, s21;
	[sflag:s23] =	ssyncset.done $0x0  }
0xa1: {  	[sflag:s23] =	ssyncadd.s32 s5;
	_ =	sdelay $0x1  }
0xa2: {  	s24 =	simm.s32 $0x1B8B  }
0xa3: {  	_ =	swait.ge [sflag:s24], $0x1  }
0xa4: {  	[sflag:s24] =	ssyncset.done $0x0  }
0xa5: {  	s25 =	simm.s32 $0x1B8E;
	[sflag:s24] =	ssyncadd.s32 $0xFFFFFFFF  }
0xa6: {  	s26 =	simm.s32 $execute0_lowered;
	[smem:$0x3FD2] =	sst s25  }
0xa7: {  	s5 =	sshll.u32 s26, $0x1;
	_ =	strace $0x80000046;
	[dreg:$0x1] =	wrdreg $0xFFFFFFFF  }
0xa8: {  	s28 =	simm.s32 $_size_execute0_lowered;
	s4 =	sadd.s32 s4, s5;
	[dreg:$0x0] =	wrdreg $0x0  }
0xa9: {  	s5 =	sshll.u32 s28, $0x1;
	[dreg:$0x2] =	wrdreg s4  }
0xaa: {  	[dreg:$0x3] =	wrdreg s5  }
0xab: {  	[dreg:$0x4] =	wrdreg $0xC0  }
0xac: {  	_ =	task [dreg:s8], $0x5FFFF  }
0xad: {  	[dreg:$0x1] =	wrdreg $0xFFFFFFFF  }
0xae: {  	[dreg:$0x0] =	wrdreg $0x60  }
0xaf: {  	[dreg:$0x2] =	wrdreg s2  }
0xb0: {  	[dreg:$0x3] =	wrdreg s19  }
0xb1: {  	[dreg:$0x4] =	wrdreg $0x100000  }
0xb2: {  	[dreg:$0x5] =	wrdreg $0x9  }
0xb3: {  	_ =	task.clear_ibuf [dreg:s8], $0x6FFFF;
	_ =	strace $0x90000046  }
0xb4: {  	s29 =	simm.s32 $0x9;
	_ =	strace $0x80000048  }
0xb5: {  	_ =	swait.ge [sflag:s29], $0x1  }
0xb6: {  	[sflag:s29] =	ssyncadd.s32 $0xFFFFFFFF  }
0xb7: {  	_ =	strace $0x90000048  }
0xb8: {  	_ =	sfence  }
0xb9: {  	s30 =	sld [smem:$0x0];
	_ =	sdelay $0x2  }
0xba: {  	s31 =	sshll.u32 s1, $0xD;
	s1 =	sshrl.u32 s1, $0x2  }
0xbb: {  	s3 =	sand.u32 $0x4000, s31;
	s1 =	sadd.s32 s1, s30  }
0xbc: {  	s0 =	sor.u32 s3, s0;
	s1 =	sshll.u32 s1, $0x11  }
0xbd: {  	s0 =	sor.u32 s1, s0  }
0xbe: {  	s0 =	sadd.s32 $0x8F2B, s0  }
0xbf: {  	[sflag:s0] =	ssyncadd.remote.s32 $0x1  }
0xc0: {  	_ =	sfence.sel $0xFFFF  }
0xc1: {  	[dreg:$0x0] =	wrdreg $0xFFFFFFFF;
	(pc) =	sbr.abs _section_cstart, $3  }
0xc2: {  	[dreg:$0x1] =	wrdreg $0xFFFFFFFF  }
0xc3: {  	_ =	task.clear_ibuf [dreg:s8], $0x2FFFF;
	_ =	strace $0x9FFFFFFF  }
0xc4: {  	(tm) =	ssettm $0x7FFFFFFF  }
0xc5: {  	_ =	shalt  }
tec
execute0_lowered:
.L_overlay_start_1:
0x0: {  	(tag) =	ssettag $0x1  }
0x1: {  	s24 =	rddreg [dreg:$0x0]  }
0x2: {  	s25 =	rddreg [dreg:$0x1]  }
0x3: {  	s3 =	rddreg [dreg:$0x2]  }
0x4: {  	s2 =	srdreg.scid;
	s0 =	rddreg [dreg:$0x3]  }
0x5: {  	s1 =	stileid.u32;
	s6 =	simm.s32 $0x1;
	s30 =	sand.u32 $0x1, s2  }
0x6: {  	s2 =	simm.s32 $0x0;
	s4 =	sshll.u32 s1, $0x10;
	s5 =	sshll.u32 s30, $0xF  }
0x7: {  	s17 =	sshll.u32 s1, $0x6;
	[smem:$0x7FF] =	sst s2;
	s26 =	sor.u32 s5, s4  }
0x8: {  	s31 =	sadd.s32 s4, s3;
	_ =	strace $0x80000047;
	s5 =	sadd.s32 s24, s26  }
0x9: {  	s4 =	sor.u32 $0x1C02, s17;
	s12 =	sor.u32 $0x2000, s26;
	[dreg:$0x4] =	wrdreg s5  }
0xa: {  	s3 =	sadd.s32 s24, s12;
	s5 =	sshrl.u32 s31, $0x3;
	s7 =	rddreg [dreg:$0x4]  }
0xb: {  	[tilespmem:s2], [sflag:$0x1] =	stream.linear.gather [hbm4b:s7+s2], $0x10000, $0x38;
	v63 =	vld [tilespmem:$0x0]  }
0xc: {  	[spmem:s5], [sflag:s4] =	dma.local [hbm:s3], $0x2000  }
0xd: {  	_ =	swait.ge [sflag:s6], $0x10000  }
0xe: {  	[sflag:s6] =	ssyncset.done $0x0  }
0xf: {  	s7 =	sadd.s32 s25, s26;
	[sflag:s6] =	ssyncadd.s32 $0xFFFF0000  }
0x10: {  	[hbm4b:s7+s2] =	stream.linear.scatter [tilespmem:s2], [sflag:$0x3], $0x10000, $0x38;
	v63 =	vld [tilespmem:$0x0]  }
0x11: {  	s8 =	sadd.s32 $0x100000, s7  }
0x12: {  	[hbm4b:s8+s2] =	stream.linear.scatter [tilespmem:s2], [sflag:$0x3], $0x10000, $0x38;
	v63 =	vld [tilespmem:$0x0]  }
0x13: {  	s9 =	sadd.s32 $0x200000, s7  }
0x14: {  	[hbm4b:s9+s2] =	stream.linear.scatter [tilespmem:s2], [sflag:$0x3], $0x10000, $0x38;
	v63 =	vld [tilespmem:$0x0]  }
0x15: {  	s11 =	simm.s32 $0x2;
	s10 =	sadd.s32 $0x300000, s7  }
0x16: {  	[hbm4b:s10+s2] =	stream.linear.scatter [tilespmem:s2], [sflag:$0x3], $0x10000, $0x38;
	v63 =	vld [tilespmem:$0x0]  }
0x17: {  	s16 =	simm.s32 $0x3;
	s17 =	sor.u32 $0x1C04, s17;
	_ =	swait.ge [sflag:s11], $0x2000  }
0x18: {  	s12 =	sadd.s32 s25, s12;
	s13 =	sadd.s32 $0x102000, s7;
	[sflag:s11] =	ssyncset.done $0x0  }
0x19: {  	s14 =	sadd.s32 $0x202000, s7;
	s15 =	sadd.s32 $0x302000, s7;
	[sflag:s11] =	ssyncadd.s32 $0xFFFFE000  }
0x1a: {  	[hbm:s12], [sflag:s17] =	dma.local [spmem:s5], $0x2000  }
0x1b: {  	[hbm:s13], [sflag:s17] =	dma.local [spmem:s5], $0x2000  }
0x1c: {  	[hbm:s14], [sflag:s17] =	dma.local [spmem:s5], $0x2000  }
0x1d: {  	[hbm:s15], [sflag:s17] =	dma.local [spmem:s5], $0x2000  }
0x1e: {  	_ =	swait.ge [sflag:s16], $0x10000  }
0x1f: {  	[sflag:s16] =	ssyncset.done $0x0  }
0x20: {  	[sflag:s16] =	ssyncadd.s32 $0xFFFF0000  }
0x21: {  	_ =	swait.ge [sflag:s16], $0x10000  }
0x22: {  	[sflag:s16] =	ssyncset.done $0x0  }
0x23: {  	[sflag:s16] =	ssyncadd.s32 $0xFFFF0000  }
0x24: {  	_ =	swait.ge [sflag:s16], $0x10000  }
0x25: {  	[sflag:s16] =	ssyncset.done $0x0  }
0x26: {  	[sflag:s16] =	ssyncadd.s32 $0xFFFF0000  }
0x27: {  	_ =	swait.ge [sflag:s16], $0x10000  }
0x28: {  	s19 =	sor.u32 $0x4000, s26;
	[sflag:s16] =	ssyncset.done $0x0  }
0x29: {  	s18 =	sadd.s32 s24, s19;
	[sflag:s16] =	ssyncadd.s32 $0xFFFF0000  }
0x2a: {  	[tilespmem:s2], [sflag:$0x1] =	stream.linear.gather [hbm4b:s18+s2], $0x10000, $0x38;
	v63 =	vld [tilespmem:$0x0]  }
0x2b: {  	_ =	swait.ge [sflag:s6], $0x10000  }
0x2c: {  	[sflag:s6] =	ssyncset.done $0x0  }
0x2d: {  	s19 =	sadd.s32 s25, s19;
	[sflag:s6] =	ssyncadd.s32 $0xFFFF0000  }
0x2e: {  	[hbm4b:s19+s2] =	stream.linear.scatter [tilespmem:s2], [sflag:$0x3], $0x10000, $0x38;
	v63 =	vld [tilespmem:$0x0]  }
0x2f: {  	s20 =	sadd.s32 $0x104000, s7  }
0x30: {  	[hbm4b:s20+s2] =	stream.linear.scatter [tilespmem:s2], [sflag:$0x3], $0x10000, $0x38;
	v63 =	vld [tilespmem:$0x0]  }
0x31: {  	s21 =	sadd.s32 $0x204000, s7  }
0x32: {  	[hbm4b:s21+s2] =	stream.linear.scatter [tilespmem:s2], [sflag:$0x3], $0x10000, $0x38;
	v63 =	vld [tilespmem:$0x0]  }
0x33: {  	s22 =	simm.s32 $0x4;
	s23 =	sadd.s32 $0x304000, s7  }
0x34: {  	[hbm4b:s23+s2] =	stream.linear.scatter [tilespmem:s2], [sflag:$0x3], $0x10000, $0x38;
	v63 =	vld [tilespmem:$0x0]  }
0x35: {  	_ =	swait.ge [sflag:s22], $0x2000  }
0x36: {  	[sflag:s22] =	ssyncset.done $0x0  }
0x37: {  	[sflag:s22] =	ssyncadd.s32 $0xFFFFE000  }
0x38: {  	_ =	swait.ge [sflag:s22], $0x2000  }
0x39: {  	[sflag:s22] =	ssyncset.done $0x0  }
0x3a: {  	[sflag:s22] =	ssyncadd.s32 $0xFFFFE000  }
0x3b: {  	_ =	swait.ge [sflag:s22], $0x2000  }
0x3c: {  	[sflag:s22] =	ssyncset.done $0x0  }
0x3d: {  	[sflag:s22] =	ssyncadd.s32 $0xFFFFE000  }
0x3e: {  	_ =	swait.ge [sflag:s22], $0x2000  }
0x3f: {  	s26 =	sor.u32 $0x6000, s26;
	[sflag:s22] =	ssyncset.done $0x0  }
0x40: {  	s24 =	sadd.s32 s24, s26;
	[sflag:s22] =	ssyncadd.s32 $0xFFFFE000  }
0x41: {  	[spmem:s5], [sflag:s4] =	dma.local [hbm:s24], $0x2000  }
0x42: {  	_ =	swait.ge [sflag:s11], $0x2000  }
0x43: {  	s25 =	sadd.s32 s25, s26;
	s26 =	sadd.s32 $0x106000, s7;
	[sflag:s11] =	ssyncset.done $0x0  }
0x44: {  	s28 =	sadd.s32 $0x206000, s7;
	s29 =	sadd.s32 $0x306000, s7;
	[sflag:s11] =	ssyncadd.s32 $0xFFFFE000  }
0x45: {  	[hbm:s25], [sflag:s17] =	dma.local [spmem:s5], $0x2000  }
0x46: {  	[hbm:s26], [sflag:s17] =	dma.local [spmem:s5], $0x2000  }
0x47: {  	[hbm:s28], [sflag:s17] =	dma.local [spmem:s5], $0x2000  }
0x48: {  	[hbm:s29], [sflag:s17] =	dma.local [spmem:s5], $0x2000  }
0x49: {  	_ =	swait.ge [sflag:s16], $0x10000  }
0x4a: {  	[sflag:s16] =	ssyncset.done $0x0  }
0x4b: {  	[sflag:s16] =	ssyncadd.s32 $0xFFFF0000  }
0x4c: {  	_ =	swait.ge [sflag:s16], $0x10000  }
0x4d: {  	[sflag:s16] =	ssyncset.done $0x0  }
0x4e: {  	[sflag:s16] =	ssyncadd.s32 $0xFFFF0000  }
0x4f: {  	_ =	swait.ge [sflag:s16], $0x10000  }
0x50: {  	[sflag:s16] =	ssyncset.done $0x0  }
0x51: {  	[sflag:s16] =	ssyncadd.s32 $0xFFFF0000  }
0x52: {  	_ =	swait.ge [sflag:s16], $0x10000  }
0x53: {  	[sflag:s16] =	ssyncset.done $0x0  }
0x54: {  	[sflag:s16] =	ssyncadd.s32 $0xFFFF0000  }
0x55: {  	s30 =	ssub.s32 $0x2, s30;
	_ =	swait.ge [sflag:s22], $0x2000  }
0x56: {  	s31 =	sshrl.u32 s30, $0x1;
	[sflag:s22] =	ssyncset.done $0x0  }
0x57: {  	s30 =	ssub.s32 s30, s31;
	[sflag:s22] =	ssyncadd.s32 $0xFFFFE000  }
0x58: {  	s30 =	smax.u32 s30, $0x1;
	_ =	swait.ge [sflag:s22], $0x2000  }
0x59: {  	p0 =	sne.s32 s30, $0x1;
	[sflag:s22] =	ssyncset.done $0x0  }
.Ltmp0:
0x5a: {  	[sflag:s22] =	ssyncadd.s32 $0xFFFFE000;
	(pc) =	sbr.rel @!p0 .LBB2_2-.Ltmp0, $4  }
0x5b: {  	_ =	swait.ge [sflag:s22], $0x2000  }
0x5c: {  	[sflag:s22] =	ssyncset.done $0x0  }
0x5d: {  	[sflag:s22] =	ssyncadd.s32 $0xFFFFE000  }
0x5e: {  	s30 =	sadd.s32 $0xFFFFFFFF, s30;
	_ =	swait.ge [sflag:s22], $0x2000  }
.LBB2_1:
0x5f: {  	[sflag:s22] =	ssyncset.done $0x0  }
0x60: {  	s31 =	rddreg [dreg:$0x4];
	[sflag:s22] =	ssyncadd.s32 $0xFFFFE000  }
0x61: {  	[tilespmem:s2], [sflag:$0x1] =	stream.linear.gather [hbm4b:s31+s2], $0x10000, $0x38;
	v63 =	vld [tilespmem:$0x0]  }
0x62: {  	[spmem:s5], [sflag:s4] =	dma.local [hbm:s3], $0x2000  }
0x63: {  	_ =	swait.ge [sflag:s6], $0x10000  }
0x64: {  	[sflag:s6] =	ssyncset.done $0x0  }
0x65: {  	[sflag:s6] =	ssyncadd.s32 $0xFFFF0000  }
0x66: {  	[hbm4b:s7+s2] =	stream.linear.scatter [tilespmem:s2], [sflag:$0x3], $0x10000, $0x38;
	v63 =	vld [tilespmem:$0x0]  }
0x67: {  	_ = 	snop  }
0x68: {  	[hbm4b:s8+s2] =	stream.linear.scatter [tilespmem:s2], [sflag:$0x3], $0x10000, $0x38;
	v63 =	vld [tilespmem:$0x0]  }
0x69: {  	_ = 	snop  }
0x6a: {  	[hbm4b:s9+s2] =	stream.linear.scatter [tilespmem:s2], [sflag:$0x3], $0x10000, $0x38;
	v63 =	vld [tilespmem:$0x0]  }
0x6b: {  	_ = 	snop  }
0x6c: {  	[hbm4b:s10+s2] =	stream.linear.scatter [tilespmem:s2], [sflag:$0x3], $0x10000, $0x38;
	v63 =	vld [tilespmem:$0x0]  }
0x6d: {  	_ =	swait.ge [sflag:s11], $0x2000  }
0x6e: {  	[sflag:s11] =	ssyncset.done $0x0  }
0x6f: {  	[sflag:s11] =	ssyncadd.s32 $0xFFFFE000  }
0x70: {  	[hbm:s12], [sflag:s17] =	dma.local [spmem:s5], $0x2000  }
0x71: {  	[hbm:s13], [sflag:s17] =	dma.local [spmem:s5], $0x2000  }
0x72: {  	[hbm:s14], [sflag:s17] =	dma.local [spmem:s5], $0x2000  }
0x73: {  	[hbm:s15], [sflag:s17] =	dma.local [spmem:s5], $0x2000  }
0x74: {  	_ =	swait.ge [sflag:s16], $0x10000  }
0x75: {  	[sflag:s16] =	ssyncset.done $0x0  }
0x76: {  	[sflag:s16] =	ssyncadd.s32 $0xFFFF0000  }
0x77: {  	_ =	swait.ge [sflag:s16], $0x10000  }
0x78: {  	[sflag:s16] =	ssyncset.done $0x0  }
0x79: {  	[sflag:s16] =	ssyncadd.s32 $0xFFFF0000  }
0x7a: {  	_ =	swait.ge [sflag:s16], $0x10000  }
0x7b: {  	[sflag:s16] =	ssyncset.done $0x0  }
0x7c: {  	[sflag:s16] =	ssyncadd.s32 $0xFFFF0000  }
0x7d: {  	_ =	swait.ge [sflag:s16], $0x10000  }
0x7e: {  	[sflag:s16] =	ssyncset.done $0x0  }
0x7f: {  	[sflag:s16] =	ssyncadd.s32 $0xFFFF0000  }
0x80: {  	[tilespmem:s2], [sflag:$0x1] =	stream.linear.gather [hbm4b:s18+s2], $0x10000, $0x38;
	v63 =	vld [tilespmem:$0x0]  }
0x81: {  	_ =	swait.ge [sflag:s6], $0x10000  }
0x82: {  	[sflag:s6] =	ssyncset.done $0x0  }
0x83: {  	[sflag:s6] =	ssyncadd.s32 $0xFFFF0000  }
0x84: {  	[hbm4b:s19+s2] =	stream.linear.scatter [tilespmem:s2], [sflag:$0x3], $0x10000, $0x38;
	v63 =	vld [tilespmem:$0x0]  }
0x85: {  	_ = 	snop  }
0x86: {  	[hbm4b:s20+s2] =	stream.linear.scatter [tilespmem:s2], [sflag:$0x3], $0x10000, $0x38;
	v63 =	vld [tilespmem:$0x0]  }
0x87: {  	_ = 	snop  }
0x88: {  	[hbm4b:s21+s2] =	stream.linear.scatter [tilespmem:s2], [sflag:$0x3], $0x10000, $0x38;
	v63 =	vld [tilespmem:$0x0]  }
0x89: {  	_ = 	snop  }
0x8a: {  	[hbm4b:s23+s2] =	stream.linear.scatter [tilespmem:s2], [sflag:$0x3], $0x10000, $0x38;
	v63 =	vld [tilespmem:$0x0]  }
0x8b: {  	_ =	swait.ge [sflag:s22], $0x2000  }
0x8c: {  	[sflag:s22] =	ssyncset.done $0x0  }
0x8d: {  	[sflag:s22] =	ssyncadd.s32 $0xFFFFE000  }
0x8e: {  	_ =	swait.ge [sflag:s22], $0x2000  }
0x8f: {  	[sflag:s22] =	ssyncset.done $0x0  }
0x90: {  	[sflag:s22] =	ssyncadd.s32 $0xFFFFE000  }
0x91: {  	_ =	swait.ge [sflag:s22], $0x2000  }
0x92: {  	[sflag:s22] =	ssyncset.done $0x0  }
0x93: {  	[sflag:s22] =	ssyncadd.s32 $0xFFFFE000  }
0x94: {  	_ =	swait.ge [sflag:s22], $0x2000  }
0x95: {  	[sflag:s22] =	ssyncset.done $0x0  }
0x96: {  	[sflag:s22] =	ssyncadd.s32 $0xFFFFE000  }
0x97: {  	[spmem:s5], [sflag:s4] =	dma.local [hbm:s24], $0x2000  }
0x98: {  	_ =	swait.ge [sflag:s11], $0x2000  }
0x99: {  	[sflag:s11] =	ssyncset.done $0x0  }
0x9a: {  	[sflag:s11] =	ssyncadd.s32 $0xFFFFE000  }
0x9b: {  	[hbm:s25], [sflag:s17] =	dma.local [spmem:s5], $0x2000  }
0x9c: {  	[hbm:s26], [sflag:s17] =	dma.local [spmem:s5], $0x2000  }
0x9d: {  	[hbm:s28], [sflag:s17] =	dma.local [spmem:s5], $0x2000  }
0x9e: {  	[hbm:s29], [sflag:s17] =	dma.local [spmem:s5], $0x2000  }
0x9f: {  	_ =	swait.ge [sflag:s16], $0x10000  }
0xa0: {  	[sflag:s16] =	ssyncset.done $0x0  }
0xa1: {  	[sflag:s16] =	ssyncadd.s32 $0xFFFF0000  }
0xa2: {  	_ =	swait.ge [sflag:s16], $0x10000  }
0xa3: {  	[sflag:s16] =	ssyncset.done $0x0  }
0xa4: {  	[sflag:s16] =	ssyncadd.s32 $0xFFFF0000  }
0xa5: {  	_ =	swait.ge [sflag:s16], $0x10000  }
0xa6: {  	[sflag:s16] =	ssyncset.done $0x0  }
0xa7: {  	[sflag:s16] =	ssyncadd.s32 $0xFFFF0000  }
0xa8: {  	_ =	swait.ge [sflag:s16], $0x10000  }
0xa9: {  	[sflag:s16] =	ssyncset.done $0x0  }
0xaa: {  	[sflag:s16] =	ssyncadd.s32 $0xFFFF0000  }
0xab: {  	_ =	swait.ge [sflag:s22], $0x2000  }
0xac: {  	[sflag:s22] =	ssyncset.done $0x0  }
0xad: {  	[sflag:s22] =	ssyncadd.s32 $0xFFFFE000  }
0xae: {  	_ =	swait.ge [sflag:s22], $0x2000  }
0xaf: {  	p0 =	sne.s32 s30, $0x1;
	[sflag:s22] =	ssyncset.done $0x0  }
.Ltmp1:
0xb0: {  	[sflag:s22] =	ssyncadd.s32 $0xFFFFE000;
	(pc) =	sbr.rel @p0 .LBB2_1-.Ltmp1, $4  }
0xb1: {  	_ =	swait.ge [sflag:s22], $0x2000  }
0xb2: {  	[sflag:s22] =	ssyncset.done $0x0  }
0xb3: {  	[sflag:s22] =	ssyncadd.s32 $0xFFFFE000  }
0xb4: {  	s30 =	sadd.s32 $0xFFFFFFFF, s30;
	_ =	swait.ge [sflag:s22], $0x2000  }
.LBB2_2:
0xb5: {  	[sflag:s22] =	ssyncset.done $0x0  }
0xb6: {  	[sflag:s22] =	ssyncadd.s32 $0xFFFFE000  }
0xb7: {  	_ =	sfence.sel $0x180000  }
0xb8: {  	[bflag:$0x0] =	sbarrier.arrive $0xFFFF  }
0xb9: {  	p0 =	sne.s32 s1, $0x0;
	_ =	strace $0x90000047  }
0xba: {  	s0 =	sadd.s32 @!p0 $0x100000, s0;
	[bflag:$0x2] =	sbarrier.arrive $0xFFFF  }
0xbb: {  	[sflag:s0] =	ssyncadd.tile.s32 @!p0 $0x1;
	_ =	shalt  }
.Lfunc_end2:
_tile_overlayer_lowered:
.L_overlay_start_2:
0xbc: {  	(tag) =	ssettag $0x2  }
0xbd: {  	s0 =	rddreg [dreg:$0x0];
	s2 =	stileid.u32  }
0xbe: {  	s1 =	rddreg [dreg:$0x1];
	p0 =	sne.s32 s2, $0x0  }
0xbf: {  	s3 =	rddreg [dreg:$0x2];
	[bflag:$0x3] =	sbarrier.arrive $0xFFFF;
	s2 =	simm.s32 @!p0 $0x1C05  }
0xc0: {  	[timem:s3], [sflag:s2] =	dma.local @!p0 [hbm:s0], s1  }
0xc1: {  	s0 =	simm.s32 @!p0 $0x5  }
0xc2: {  	_ =	swait.ge @!p0 [sflag:s0], s1  }
0xc3: {  	s1 =	ssub.s32 @!p0 $0x0, s1;
	[sflag:s0] =	ssyncset.done @!p0 $0x0  }
0xc4: {  	[sflag:s0] =	ssyncadd.s32 @!p0 s1  }
0xc5: {  	[bflag:$0x3] =	sbarrier.arrive $0xFFFF  }
0xc6: {  	_ =	shalt  }

</sc_bundles>
